<compile_context>
chip_gen: v7x
topology: tpu7x:2x2x1
jax: 0.10.2.dev20260603
libtpu: 0.0.44.dev20260713+nightly
codegen_flags: <defaults>
</compile_context>

<pallas_src>
import jax
import jax.numpy as jnp
from jax import lax
from jax.experimental import pallas as pl
from jax.experimental.pallas import tpu as pltpu
from jax.experimental.pallas import tpu_sc as plsc

N_EDGES = 3_200_000
N_NODES = 100_000
D_EDGE = 16
D_FEAT = 128

NW = 32
NCHUNK = 240
PER_W = 13
N_PER_W = NCHUNK * PER_W
N_TAIL = N_NODES - NW * N_PER_W

TC_GRID = 25
TC_EBLK = N_EDGES // TC_GRID
EACC_W = 3200



def _sc_body(nodes_hbm, pn_hbm, buf0, buf1, pbuf, sem0, sem1):
    wid = lax.axis_index("s") * 2 + lax.axis_index("c")
    base = wid * N_PER_W

    def start(ci, buf, sem):
        pltpu.async_copy(nodes_hbm.at[pl.ds(base + ci * NCHUNK, NCHUNK)],
                         buf, sem)

    def drain(buf, sem):
        pltpu.make_async_copy(nodes_hbm.at[pl.ds(0, NCHUNK)], buf,
                              sem).wait()

    def accum(buf, acc):
        def body(i, a):
            return tuple(
                a[j] + buf[i, pl.ds(j * 16, 16)] for j in range(8)
            )
        return lax.fori_loop(0, NCHUNK, body, acc)

    start(0, buf0, sem0)

    def pair_body(i, acc):
        start(2 * i + 1, buf1, sem1)
        drain(buf0, sem0)
        acc = accum(buf0, acc)
        start(2 * i + 2, buf0, sem0)
        drain(buf1, sem1)
        return accum(buf1, acc)

    zero = tuple(jnp.zeros((16,), jnp.float32) for _ in range(8))
    acc = lax.fori_loop(0, (PER_W - 1) // 2, pair_body, zero)
    drain(buf0, sem0)
    acc = accum(buf0, acc)

    for j in range(8):
        pbuf[0, pl.ds(j * 16, 16)] = acc[j]
    for r in range(1, 8):
        pbuf[r, :] = jnp.zeros((128,), jnp.float32)
    pltpu.sync_copy(pbuf, pn_hbm.at[pl.ds(wid * 8, 8)])


def _sc_node_sums(nodes_data):
    mesh = plsc.VectorSubcoreMesh(core_axis_name="c", subcore_axis_name="s")
    return pl.kernel(
        _sc_body,
        mesh=mesh,
        out_type=jax.ShapeDtypeStruct((NW * 8, D_FEAT), jnp.float32),
        scratch_types=[
            pltpu.VMEM((NCHUNK, D_FEAT), jnp.float32),
            pltpu.VMEM((NCHUNK, D_FEAT), jnp.float32),
            pltpu.VMEM((8, D_FEAT), jnp.float32),
            pltpu.SemaphoreType.DMA,
            pltpu.SemaphoreType.DMA,
        ],
    )(nodes_data)



def _tc_edges_body(edges_ref, esum_ref, eacc):
    g = pl.program_id(0)

    @pl.when(g == 0)
    def _init():
        eacc[...] = jnp.zeros_like(eacc)

    e = eacc[...]
    for s in range(TC_EBLK // EACC_W):
        e = e + edges_ref[:, pl.ds(s * EACC_W, EACC_W)]
    eacc[...] = e

    @pl.when(g == TC_GRID - 1)
    def _fin():
        esum_ref[...] = eacc[...]


def _tc_edge_sums(edges_t):
    return pl.pallas_call(
        _tc_edges_body,
        grid=(TC_GRID,),
        in_specs=[pl.BlockSpec((D_EDGE, TC_EBLK), lambda g: (0, g))],
        out_specs=pl.BlockSpec((D_EDGE, EACC_W), lambda g: (0, 0)),
        out_shape=jax.ShapeDtypeStruct((D_EDGE, EACC_W), jnp.float32),
        scratch_shapes=[pltpu.VMEM((D_EDGE, EACC_W), jnp.float32)],
    )(edges_t)



def _tc_fin_body(glob_ref, pn_ref, ntail_ref, esum_ref, WgT_ref, WeT_ref,
                 WnT_ref, b_ref, out_ref):
    erow = jnp.dot(esum_ref[...], jnp.ones((EACC_W, 1), jnp.float32),
                   preferred_element_type=jnp.float32)
    e_out = lax.dot_general(erow, WeT_ref[...], (((0,), (0,)), ((), ())),
                            preferred_element_type=jnp.float32)
    n_row = (jnp.sum(pn_ref[...], axis=0, keepdims=True)
             + jnp.sum(ntail_ref[...], axis=0, keepdims=True)) \
        * (1.0 / N_NODES)
    out_ref[...] = (
        jnp.dot(glob_ref[...], WgT_ref[...],
                preferred_element_type=jnp.float32)
        + e_out * (1.0 / N_EDGES)
        + jnp.dot(n_row, WnT_ref[...], preferred_element_type=jnp.float32)
        + b_ref[...])


def kernel(global_data, nodes_data, edges_data, W, b):
    edges_t = edges_data.T
    pn = _sc_node_sums(nodes_data)
    esum = _tc_edge_sums(edges_t)
    WT = W.T
    out = pl.pallas_call(
        _tc_fin_body,
        out_shape=jax.ShapeDtypeStruct((1, 128), jnp.float32),
    )(global_data[None, :], pn, nodes_data[NW * N_PER_W:], esum,
      WT[:128], WT[128:144], WT[144:], b[None, :])
    return out[0]

# --- scband reference (transcript-rebuilt; emitter-appended) ---
"""Pipeline reference for scband-global-block-19250043420737 (READ-ONLY COPY).

The authoritative reference and input builder live on the scoring server;
editing this copy changes nothing except your own understanding.
"""

import jax, jax.numpy as jnp
import numpy as np

N_NODES = 100000
N_EDGES = 3200000
D_FEAT = 128
D_EDGE = 16
D_GLOBAL = 128
D_OUT = 128


def setup_inputs(seed: int = 0) -> dict:
    key = jax.random.key(seed)
    k1, k2, k3, k4, k5 = jax.random.split(key, 5)
    global_data = jax.random.normal(k1, (D_GLOBAL,), dtype=jnp.float32)
    nodes_data = jax.random.normal(k2, (N_NODES, D_FEAT), dtype=jnp.float32)
    edges_data = jax.random.normal(k3, (N_EDGES, D_EDGE), dtype=jnp.float32)
    # updater parameters (nn.Linear(d_global + d_edge + d_feat, d_out))
    d_in = D_GLOBAL + D_EDGE + D_FEAT
    W = jax.random.normal(k4, (D_OUT, d_in), dtype=jnp.float32) * 0.05
    b = jax.random.normal(k5, (D_OUT,), dtype=jnp.float32) * 0.05
    return {"global_data": global_data, "nodes_data": nodes_data, "edges_data": edges_data, "W": W, "b": b}


def reference(global_data, nodes_data, edges_data, W, b):
    # GlobalBlock.forward (non-independent, updater = Linear):
    # edge aggregator: mean over all edges -> [d_edge] (after squeeze)
    edge_agg = jnp.mean(edges_data, axis=0)
    # node aggregator: mean over all nodes -> [d_feat] (after squeeze)
    node_agg = jnp.mean(nodes_data, axis=0)
    upd_input = jnp.concatenate([global_data, edge_agg, node_agg], axis=0)
    return W @ upd_input + b

if __name__ == "__main__":
    import jax
    _d = setup_inputs()
    print(jax.jit(kernel)(*tuple(_d.values())))

</pallas_src>

<mosaic_0001>
#map = affine_map<(d0, d1) -> (0, 0)>
module attributes {stable_mosaic.version = 14 : i64} {
  func.func @_sc_body(%arg0: i32, %arg1: i32, %arg2: memref<100000x128xf32, #tpu.memory_space<hbm>>, %arg3: memref<256x128xf32, #tpu.memory_space<hbm>>, %arg4: memref<240x128xf32, #tpu.memory_space<vmem>>, %arg5: memref<240x128xf32, #tpu.memory_space<vmem>>, %arg6: memref<8x128xf32, #tpu.memory_space<vmem>>, %arg7: memref<!tpu.dma_semaphore, #tpu.memory_space<semaphore_mem>>, %arg8: memref<!tpu.dma_semaphore, #tpu.memory_space<semaphore_mem>>) attributes {dimension_semantics = [#tpu.dimension_semantics<core_parallel>, #tpu.dimension_semantics<subcore_parallel>], iteration_bounds = array<i64: 2, 16>, scalar_prefetch = 0 : i64, scratch_operands = 5 : i64, tpu.core_type = #tpu.core_type<sc_vector_subcore>, window_params = [{transform_indices = #map}, {transform_indices = #map}]} {
    %mul3A = arith.constant 2 : i32
    %mul3A_0 = arith.muli %arg1, %mul3A : i32
    %add3A = arith.addi %mul3A_0, %arg0 : i32
    %mul3A_1 = arith.constant 3120 : i32
    %mul3A_2 = arith.muli %add3A, %mul3A_1 : i32
    %add3A_3 = arith.constant 0 : i32
    %add3A_4 = arith.addi %mul3A_2, %add3A_3 : i32
    %dma_start3A = arith.constant 0 : i32
    %dma_start3A_5 = tpu.memref_slice %arg2[%add3A_4, %dma_start3A] : memref<100000x128xf32, #tpu.memory_space<hbm>> -> memref<240x128xf32, #tpu.memory_space<hbm>>
    %dma_start3A_6 = arith.constant 0 : i32
    %dma_start3A_7 = tpu.memref_slice %arg2[%add3A_4, %dma_start3A_6] : memref<100000x128xf32, #tpu.memory_space<hbm>> -> memref<240x128xf32, #tpu.memory_space<hbm>>
    tpu.enqueue_dma source(%dma_start3A_7 : memref<240x128xf32, #tpu.memory_space<hbm>>) target(%arg4 : memref<240x128xf32, #tpu.memory_space<vmem>>) target_semaphore(%arg7 : memref<!tpu.dma_semaphore, #tpu.memory_space<semaphore_mem>>)
    %broadcast_in_dim3A = arith.constant 0.000000e+00 : f32
    %broadcast_in_dim3A_8 = vector.broadcast %broadcast_in_dim3A : f32 to vector<16xf32>
    %broadcast_in_dim3A_9 = arith.constant 0.000000e+00 : f32
    %broadcast_in_dim3A_10 = vector.broadcast %broadcast_in_dim3A_9 : f32 to vector<16xf32>
    %broadcast_in_dim3A_11 = arith.constant 0.000000e+00 : f32
    %broadcast_in_dim3A_12 = vector.broadcast %broadcast_in_dim3A_11 : f32 to vector<16xf32>
    %broadcast_in_dim3A_13 = arith.constant 0.000000e+00 : f32
    %broadcast_in_dim3A_14 = vector.broadcast %broadcast_in_dim3A_13 : f32 to vector<16xf32>
    %broadcast_in_dim3A_15 = arith.constant 0.000000e+00 : f32
    %broadcast_in_dim3A_16 = vector.broadcast %broadcast_in_dim3A_15 : f32 to vector<16xf32>
    %broadcast_in_dim3A_17 = arith.constant 0.000000e+00 : f32
    %broadcast_in_dim3A_18 = vector.broadcast %broadcast_in_dim3A_17 : f32 to vector<16xf32>
    %broadcast_in_dim3A_19 = arith.constant 0.000000e+00 : f32
    %broadcast_in_dim3A_20 = vector.broadcast %broadcast_in_dim3A_19 : f32 to vector<16xf32>
    %broadcast_in_dim3A_21 = arith.constant 0.000000e+00 : f32
    %broadcast_in_dim3A_22 = vector.broadcast %broadcast_in_dim3A_21 : f32 to vector<16xf32>
    %scan3A = arith.constant 0 : i32
    %scan3A_23 = arith.constant 6 : i32
    %scan3A_24 = arith.addi %scan3A, %scan3A_23 : i32
    %scan3A_25 = arith.constant 1 : i32
    %scan3A_26:8 = scf.for %scan3A_144 = %scan3A to %scan3A_24 step %scan3A_25 iter_args(%scan3A_145 = %broadcast_in_dim3A_8, %scan3A_146 = %broadcast_in_dim3A_10, %scan3A_147 = %broadcast_in_dim3A_12, %scan3A_148 = %broadcast_in_dim3A_14, %scan3A_149 = %broadcast_in_dim3A_16, %scan3A_150 = %broadcast_in_dim3A_18, %scan3A_151 = %broadcast_in_dim3A_20, %scan3A_152 = %broadcast_in_dim3A_22) -> (vector<16xf32>, vector<16xf32>, vector<16xf32>, vector<16xf32>, vector<16xf32>, vector<16xf32>, vector<16xf32>, vector<16xf32>)  : i32 {
      %mul3A_153 = arith.constant 2 : i32
      %mul3A_154 = arith.muli %mul3A_153, %scan3A_144 : i32
      %add3A_155 = arith.constant 1 : i32
      %add3A_156 = arith.addi %mul3A_154, %add3A_155 : i32
      %mul3A_157 = arith.constant 240 : i32
      %mul3A_158 = arith.muli %add3A_156, %mul3A_157 : i32
      %add3A_159 = arith.addi %mul3A_2, %mul3A_158 : i32
      %dma_start3A_160 = arith.constant 0 : i32
      %dma_start3A_161 = tpu.memref_slice %arg2[%add3A_159, %dma_start3A_160] : memref<100000x128xf32, #tpu.memory_space<hbm>> -> memref<240x128xf32, #tpu.memory_space<hbm>>
      %dma_start3A_162 = arith.constant 0 : i32
      %dma_start3A_163 = tpu.memref_slice %arg2[%add3A_159, %dma_start3A_162] : memref<100000x128xf32, #tpu.memory_space<hbm>> -> memref<240x128xf32, #tpu.memory_space<hbm>>
      tpu.enqueue_dma source(%dma_start3A_163 : memref<240x128xf32, #tpu.memory_space<hbm>>) target(%arg5 : memref<240x128xf32, #tpu.memory_space<vmem>>) target_semaphore(%arg8 : memref<!tpu.dma_semaphore, #tpu.memory_space<semaphore_mem>>)
      %dma_wait3A_164 = arith.constant 0 : i32
      %dma_wait3A_165 = arith.constant 0 : i32
      %dma_wait3A_166 = tpu.memref_slice %arg2[%dma_wait3A_164, %dma_wait3A_165] : memref<100000x128xf32, #tpu.memory_space<hbm>> -> memref<240x128xf32, #tpu.memory_space<hbm>>
      %dma_wait3A_167 = arith.constant 0 : i32
      %dma_wait3A_168 = arith.constant 0 : i32
      %dma_wait3A_169 = tpu.memref_slice %arg2[%dma_wait3A_167, %dma_wait3A_168] : memref<100000x128xf32, #tpu.memory_space<hbm>> -> memref<240x128xf32, #tpu.memory_space<hbm>>
      tpu.wait_dma2 semaphore(%arg7 : memref<!tpu.dma_semaphore, #tpu.memory_space<semaphore_mem>>) src(%dma_wait3A_169 : memref<240x128xf32, #tpu.memory_space<hbm>>) dst(%arg4 : memref<240x128xf32, #tpu.memory_space<vmem>>)
      %scan3A_170 = arith.constant 0 : i32
      %scan3A_171 = arith.constant 240 : i32
      %scan3A_172 = arith.addi %scan3A_170, %scan3A_171 : i32
      %scan3A_173 = arith.constant 1 : i32
      %scan3A_174:8 = scf.for %scan3A_199 = %scan3A_170 to %scan3A_172 step %scan3A_173 iter_args(%scan3A_200 = %scan3A_145, %scan3A_201 = %scan3A_146, %scan3A_202 = %scan3A_147, %scan3A_203 = %scan3A_148, %scan3A_204 = %scan3A_149, %scan3A_205 = %scan3A_150, %scan3A_206 = %scan3A_151, %scan3A_207 = %scan3A_152) -> (vector<16xf32>, vector<16xf32>, vector<16xf32>, vector<16xf32>, vector<16xf32>, vector<16xf32>, vector<16xf32>, vector<16xf32>)  : i32 {
        %get3A = arith.index_cast %scan3A_199 : i32 to index
        %get3A_208 = arith.constant 0 : index
        %get3A_209 = tpu.vector_load %arg4[%get3A, %get3A_208] {strides = array<i32>} : memref<240x128xf32, #tpu.memory_space<vmem>>, vector<1x16xf32>,
        %get3A_210 = vector.shape_cast %get3A_209 : vector<1x16xf32> to vector<16xf32>
        %add3A_211 = arith.addf %scan3A_200, %get3A_210 : vector<16xf32>
        %get3A_212 = arith.index_cast %scan3A_199 : i32 to index
        %get3A_213 = arith.constant 16 : index
        %get3A_214 = tpu.vector_load %arg4[%get3A_212, %get3A_213] {strides = array<i32>} : memref<240x128xf32, #tpu.memory_space<vmem>>, vector<1x16xf32>,
        %get3A_215 = vector.shape_cast %get3A_214 : vector<1x16xf32> to vector<16xf32>
        %add3A_216 = arith.addf %scan3A_201, %get3A_215 : vector<16xf32>
        %get3A_217 = arith.index_cast %scan3A_199 : i32 to index
        %get3A_218 = arith.constant 32 : index
        %get3A_219 = tpu.vector_load %arg4[%get3A_217, %get3A_218] {strides = array<i32>} : memref<240x128xf32, #tpu.memory_space<vmem>>, vector<1x16xf32>,
        %get3A_220 = vector.shape_cast %get3A_219 : vector<1x16xf32> to vector<16xf32>
        %add3A_221 = arith.addf %scan3A_202, %get3A_220 : vector<16xf32>
        %get3A_222 = arith.index_cast %scan3A_199 : i32 to index
        %get3A_223 = arith.constant 48 : index
        %get3A_224 = tpu.vector_load %arg4[%get3A_222, %get3A_223] {strides = array<i32>} : memref<240x128xf32, #tpu.memory_space<vmem>>, vector<1x16xf32>,
        %get3A_225 = vector.shape_cast %get3A_224 : vector<1x16xf32> to vector<16xf32>
        %add3A_226 = arith.addf %scan3A_203, %get3A_225 : vector<16xf32>
        %get3A_227 = arith.index_cast %scan3A_199 : i32 to index
        %get3A_228 = arith.constant 64 : index
        %get3A_229 = tpu.vector_load %arg4[%get3A_227, %get3A_228] {strides = array<i32>} : memref<240x128xf32, #tpu.memory_space<vmem>>, vector<1x16xf32>,
        %get3A_230 = vector.shape_cast %get3A_229 : vector<1x16xf32> to vector<16xf32>
        %add3A_231 = arith.addf %scan3A_204, %get3A_230 : vector<16xf32>
        %get3A_232 = arith.index_cast %scan3A_199 : i32 to index
        %get3A_233 = arith.constant 80 : index
        %get3A_234 = tpu.vector_load %arg4[%get3A_232, %get3A_233] {strides = array<i32>} : memref<240x128xf32, #tpu.memory_space<vmem>>, vector<1x16xf32>,
        %get3A_235 = vector.shape_cast %get3A_234 : vector<1x16xf32> to vector<16xf32>
        %add3A_236 = arith.addf %scan3A_205, %get3A_235 : vector<16xf32>
        %get3A_237 = arith.index_cast %scan3A_199 : i32 to index
        %get3A_238 = arith.constant 96 : index
        %get3A_239 = tpu.vector_load %arg4[%get3A_237, %get3A_238] {strides = array<i32>} : memref<240x128xf32, #tpu.memory_space<vmem>>, vector<1x16xf32>,
        %get3A_240 = vector.shape_cast %get3A_239 : vector<1x16xf32> to vector<16xf32>
        %add3A_241 = arith.addf %scan3A_206, %get3A_240 : vector<16xf32>
        %get3A_242 = arith.index_cast %scan3A_199 : i32 to index
        %get3A_243 = arith.constant 112 : index
        %get3A_244 = tpu.vector_load %arg4[%get3A_242, %get3A_243] {strides = array<i32>} : memref<240x128xf32, #tpu.memory_space<vmem>>, vector<1x16xf32>,
        %get3A_245 = vector.shape_cast %get3A_244 : vector<1x16xf32> to vector<16xf32>
        %add3A_246 = arith.addf %scan3A_207, %get3A_245 : vector<16xf32>
        scf.yield %add3A_211, %add3A_216, %add3A_221, %add3A_226, %add3A_231, %add3A_236, %add3A_241, %add3A_246 : vector<16xf32>, vector<16xf32>, vector<16xf32>, vector<16xf32>, vector<16xf32>, vector<16xf32>, vector<16xf32>, vector<16xf32>
      }
      %scan3A_175 = arith.constant 240 : i32
      %mul3A_176 = arith.constant 2 : i32
      %mul3A_177 = arith.muli %mul3A_176, %scan3A_144 : i32
      %add3A_178 = arith.constant 2 : i32
      %add3A_179 = arith.addi %mul3A_177, %add3A_178 : i32
      %mul3A_180 = arith.constant 240 : i32
      %mul3A_181 = arith.muli %add3A_179, %mul3A_180 : i32
      %add3A_182 = arith.addi %mul3A_2, %mul3A_181 : i32
      %dma_start3A_183 = arith.constant 0 : i32
      %dma_start3A_184 = tpu.memref_slice %arg2[%add3A_182, %dma_start3A_183] : memref<100000x128xf32, #tpu.memory_space<hbm>> -> memref<240x128xf32, #tpu.memory_space<hbm>>
      %dma_start3A_185 = arith.constant 0 : i32
      %dma_start3A_186 = tpu.memref_slice %arg2[%add3A_182, %dma_start3A_185] : memref<100000x128xf32, #tpu.memory_space<hbm>> -> memref<240x128xf32, #tpu.memory_space<hbm>>
      tpu.enqueue_dma source(%dma_start3A_186 : memref<240x128xf32, #tpu.memory_space<hbm>>) target(%arg4 : memref<240x128xf32, #tpu.memory_space<vmem>>) target_semaphore(%arg7 : memref<!tpu.dma_semaphore, #tpu.memory_space<semaphore_mem>>)
      %dma_wait3A_187 = arith.constant 0 : i32
      %dma_wait3A_188 = arith.constant 0 : i32
      %dma_wait3A_189 = tpu.memref_slice %arg2[%dma_wait3A_187, %dma_wait3A_188] : memref<100000x128xf32, #tpu.memory_space<hbm>> -> memref<240x128xf32, #tpu.memory_space<hbm>>
      %dma_wait3A_190 = arith.constant 0 : i32
      %dma_wait3A_191 = arith.constant 0 : i32
      %dma_wait3A_192 = tpu.memref_slice %arg2[%dma_wait3A_190, %dma_wait3A_191] : memref<100000x128xf32, #tpu.memory_space<hbm>> -> memref<240x128xf32, #tpu.memory_space<hbm>>
      tpu.wait_dma2 semaphore(%arg8 : memref<!tpu.dma_semaphore, #tpu.memory_space<semaphore_mem>>) src(%dma_wait3A_192 : memref<240x128xf32, #tpu.memory_space<hbm>>) dst(%arg5 : memref<240x128xf32, #tpu.memory_space<vmem>>)
      %scan3A_193 = arith.constant 0 : i32
      %scan3A_194 = arith.constant 240 : i32
      %scan3A_195 = arith.addi %scan3A_193, %scan3A_194 : i32
      %scan3A_196 = arith.constant 1 : i32
      %scan3A_197:8 = scf.for %scan3A_199 = %scan3A_193 to %scan3A_195 step %scan3A_196 iter_args(%scan3A_200 = %scan3A_174#0, %scan3A_201 = %scan3A_174#1, %scan3A_202 = %scan3A_174#2, %scan3A_203 = %scan3A_174#3, %scan3A_204 = %scan3A_174#4, %scan3A_205 = %scan3A_174#5, %scan3A_206 = %scan3A_174#6, %scan3A_207 = %scan3A_174#7) -> (vector<16xf32>, vector<16xf32>, vector<16xf32>, vector<16xf32>, vector<16xf32>, vector<16xf32>, vector<16xf32>, vector<16xf32>)  : i32 {
        %get3A = arith.index_cast %scan3A_199 : i32 to index
        %get3A_208 = arith.constant 0 : index
        %get3A_209 = tpu.vector_load %arg5[%get3A, %get3A_208] {strides = array<i32>} : memref<240x128xf32, #tpu.memory_space<vmem>>, vector<1x16xf32>,
        %get3A_210 = vector.shape_cast %get3A_209 : vector<1x16xf32> to vector<16xf32>
        %add3A_211 = arith.addf %scan3A_200, %get3A_210 : vector<16xf32>
        %get3A_212 = arith.index_cast %scan3A_199 : i32 to index
        %get3A_213 = arith.constant 16 : index
        %get3A_214 = tpu.vector_load %arg5[%get3A_212, %get3A_213] {strides = array<i32>} : memref<240x128xf32, #tpu.memory_space<vmem>>, vector<1x16xf32>,
        %get3A_215 = vector.shape_cast %get3A_214 : vector<1x16xf32> to vector<16xf32>
        %add3A_216 = arith.addf %scan3A_201, %get3A_215 : vector<16xf32>
        %get3A_217 = arith.index_cast %scan3A_199 : i32 to index
        %get3A_218 = arith.constant 32 : index
        %get3A_219 = tpu.vector_load %arg5[%get3A_217, %get3A_218] {strides = array<i32>} : memref<240x128xf32, #tpu.memory_space<vmem>>, vector<1x16xf32>,
        %get3A_220 = vector.shape_cast %get3A_219 : vector<1x16xf32> to vector<16xf32>
        %add3A_221 = arith.addf %scan3A_202, %get3A_220 : vector<16xf32>
        %get3A_222 = arith.index_cast %scan3A_199 : i32 to index
        %get3A_223 = arith.constant 48 : index
        %get3A_224 = tpu.vector_load %arg5[%get3A_222, %get3A_223] {strides = array<i32>} : memref<240x128xf32, #tpu.memory_space<vmem>>, vector<1x16xf32>,
        %get3A_225 = vector.shape_cast %get3A_224 : vector<1x16xf32> to vector<16xf32>
        %add3A_226 = arith.addf %scan3A_203, %get3A_225 : vector<16xf32>
        %get3A_227 = arith.index_cast %scan3A_199 : i32 to index
        %get3A_228 = arith.constant 64 : index
        %get3A_229 = tpu.vector_load %arg5[%get3A_227, %get3A_228] {strides = array<i32>} : memref<240x128xf32, #tpu.memory_space<vmem>>, vector<1x16xf32>,
        %get3A_230 = vector.shape_cast %get3A_229 : vector<1x16xf32> to vector<16xf32>
        %add3A_231 = arith.addf %scan3A_204, %get3A_230 : vector<16xf32>
        %get3A_232 = arith.index_cast %scan3A_199 : i32 to index
        %get3A_233 = arith.constant 80 : index
        %get3A_234 = tpu.vector_load %arg5[%get3A_232, %get3A_233] {strides = array<i32>} : memref<240x128xf32, #tpu.memory_space<vmem>>, vector<1x16xf32>,
        %get3A_235 = vector.shape_cast %get3A_234 : vector<1x16xf32> to vector<16xf32>
        %add3A_236 = arith.addf %scan3A_205, %get3A_235 : vector<16xf32>
        %get3A_237 = arith.index_cast %scan3A_199 : i32 to index
        %get3A_238 = arith.constant 96 : index
        %get3A_239 = tpu.vector_load %arg5[%get3A_237, %get3A_238] {strides = array<i32>} : memref<240x128xf32, #tpu.memory_space<vmem>>, vector<1x16xf32>,
        %get3A_240 = vector.shape_cast %get3A_239 : vector<1x16xf32> to vector<16xf32>
        %add3A_241 = arith.addf %scan3A_206, %get3A_240 : vector<16xf32>
        %get3A_242 = arith.index_cast %scan3A_199 : i32 to index
        %get3A_243 = arith.constant 112 : index
        %get3A_244 = tpu.vector_load %arg5[%get3A_242, %get3A_243] {strides = array<i32>} : memref<240x128xf32, #tpu.memory_space<vmem>>, vector<1x16xf32>,
        %get3A_245 = vector.shape_cast %get3A_244 : vector<1x16xf32> to vector<16xf32>
        %add3A_246 = arith.addf %scan3A_207, %get3A_245 : vector<16xf32>
        scf.yield %add3A_211, %add3A_216, %add3A_221, %add3A_226, %add3A_231, %add3A_236, %add3A_241, %add3A_246 : vector<16xf32>, vector<16xf32>, vector<16xf32>, vector<16xf32>, vector<16xf32>, vector<16xf32>, vector<16xf32>, vector<16xf32>
      }
      %scan3A_198 = arith.constant 240 : i32
      scf.yield %scan3A_197#0, %scan3A_197#1, %scan3A_197#2, %scan3A_197#3, %scan3A_197#4, %scan3A_197#5, %scan3A_197#6, %scan3A_197#7 : vector<16xf32>, vector<16xf32>, vector<16xf32>, vector<16xf32>, vector<16xf32>, vector<16xf32>, vector<16xf32>, vector<16xf32>
    }
    %scan3A_27 = arith.constant 6 : i32
    %dma_wait3A = arith.constant 0 : i32
    %dma_wait3A_28 = arith.constant 0 : i32
    %dma_wait3A_29 = tpu.memref_slice %arg2[%dma_wait3A, %dma_wait3A_28] : memref<100000x128xf32, #tpu.memory_space<hbm>> -> memref<240x128xf32, #tpu.memory_space<hbm>>
    %dma_wait3A_30 = arith.constant 0 : i32
    %dma_wait3A_31 = arith.constant 0 : i32
    %dma_wait3A_32 = tpu.memref_slice %arg2[%dma_wait3A_30, %dma_wait3A_31] : memref<100000x128xf32, #tpu.memory_space<hbm>> -> memref<240x128xf32, #tpu.memory_space<hbm>>
    tpu.wait_dma2 semaphore(%arg7 : memref<!tpu.dma_semaphore, #tpu.memory_space<semaphore_mem>>) src(%dma_wait3A_32 : memref<240x128xf32, #tpu.memory_space<hbm>>) dst(%arg4 : memref<240x128xf32, #tpu.memory_space<vmem>>)
    %scan3A_33 = arith.constant 0 : i32
    %scan3A_34 = arith.constant 240 : i32
    %scan3A_35 = arith.addi %scan3A_33, %scan3A_34 : i32
    %scan3A_36 = arith.constant 1 : i32
    %scan3A_37:8 = scf.for %scan3A_144 = %scan3A_33 to %scan3A_35 step %scan3A_36 iter_args(%scan3A_145 = %scan3A_26#0, %scan3A_146 = %scan3A_26#1, %scan3A_147 = %scan3A_26#2, %scan3A_148 = %scan3A_26#3, %scan3A_149 = %scan3A_26#4, %scan3A_150 = %scan3A_26#5, %scan3A_151 = %scan3A_26#6, %scan3A_152 = %scan3A_26#7) -> (vector<16xf32>, vector<16xf32>, vector<16xf32>, vector<16xf32>, vector<16xf32>, vector<16xf32>, vector<16xf32>, vector<16xf32>)  : i32 {
      %get3A = arith.index_cast %scan3A_144 : i32 to index
      %get3A_153 = arith.constant 0 : index
      %get3A_154 = tpu.vector_load %arg4[%get3A, %get3A_153] {strides = array<i32>} : memref<240x128xf32, #tpu.memory_space<vmem>>, vector<1x16xf32>,
      %get3A_155 = vector.shape_cast %get3A_154 : vector<1x16xf32> to vector<16xf32>
      %add3A_156 = arith.addf %scan3A_145, %get3A_155 : vector<16xf32>
      %get3A_157 = arith.index_cast %scan3A_144 : i32 to index
      %get3A_158 = arith.constant 16 : index
      %get3A_159 = tpu.vector_load %arg4[%get3A_157, %get3A_158] {strides = array<i32>} : memref<240x128xf32, #tpu.memory_space<vmem>>, vector<1x16xf32>,
      %get3A_160 = vector.shape_cast %get3A_159 : vector<1x16xf32> to vector<16xf32>
      %add3A_161 = arith.addf %scan3A_146, %get3A_160 : vector<16xf32>
      %get3A_162 = arith.index_cast %scan3A_144 : i32 to index
      %get3A_163 = arith.constant 32 : index
      %get3A_164 = tpu.vector_load %arg4[%get3A_162, %get3A_163] {strides = array<i32>} : memref<240x128xf32, #tpu.memory_space<vmem>>, vector<1x16xf32>,
      %get3A_165 = vector.shape_cast %get3A_164 : vector<1x16xf32> to vector<16xf32>
      %add3A_166 = arith.addf %scan3A_147, %get3A_165 : vector<16xf32>
      %get3A_167 = arith.index_cast %scan3A_144 : i32 to index
      %get3A_168 = arith.constant 48 : index
      %get3A_169 = tpu.vector_load %arg4[%get3A_167, %get3A_168] {strides = array<i32>} : memref<240x128xf32, #tpu.memory_space<vmem>>, vector<1x16xf32>,
      %get3A_170 = vector.shape_cast %get3A_169 : vector<1x16xf32> to vector<16xf32>
      %add3A_171 = arith.addf %scan3A_148, %get3A_170 : vector<16xf32>
      %get3A_172 = arith.index_cast %scan3A_144 : i32 to index
      %get3A_173 = arith.constant 64 : index
      %get3A_174 = tpu.vector_load %arg4[%get3A_172, %get3A_173] {strides = array<i32>} : memref<240x128xf32, #tpu.memory_space<vmem>>, vector<1x16xf32>,
      %get3A_175 = vector.shape_cast %get3A_174 : vector<1x16xf32> to vector<16xf32>
      %add3A_176 = arith.addf %scan3A_149, %get3A_175 : vector<16xf32>
      %get3A_177 = arith.index_cast %scan3A_144 : i32 to index
      %get3A_178 = arith.constant 80 : index
      %get3A_179 = tpu.vector_load %arg4[%get3A_177, %get3A_178] {strides = array<i32>} : memref<240x128xf32, #tpu.memory_space<vmem>>, vector<1x16xf32>,
      %get3A_180 = vector.shape_cast %get3A_179 : vector<1x16xf32> to vector<16xf32>
      %add3A_181 = arith.addf %scan3A_150, %get3A_180 : vector<16xf32>
      %get3A_182 = arith.index_cast %scan3A_144 : i32 to index
      %get3A_183 = arith.constant 96 : index
      %get3A_184 = tpu.vector_load %arg4[%get3A_182, %get3A_183] {strides = array<i32>} : memref<240x128xf32, #tpu.memory_space<vmem>>, vector<1x16xf32>,
      %get3A_185 = vector.shape_cast %get3A_184 : vector<1x16xf32> to vector<16xf32>
      %add3A_186 = arith.addf %scan3A_151, %get3A_185 : vector<16xf32>
      %get3A_187 = arith.index_cast %scan3A_144 : i32 to index
      %get3A_188 = arith.constant 112 : index
      %get3A_189 = tpu.vector_load %arg4[%get3A_187, %get3A_188] {strides = array<i32>} : memref<240x128xf32, #tpu.memory_space<vmem>>, vector<1x16xf32>,
      %get3A_190 = vector.shape_cast %get3A_189 : vector<1x16xf32> to vector<16xf32>
      %add3A_191 = arith.addf %scan3A_152, %get3A_190 : vector<16xf32>
      scf.yield %add3A_156, %add3A_161, %add3A_166, %add3A_171, %add3A_176, %add3A_181, %add3A_186, %add3A_191 : vector<16xf32>, vector<16xf32>, vector<16xf32>, vector<16xf32>, vector<16xf32>, vector<16xf32>, vector<16xf32>, vector<16xf32>
    }
    %scan3A_38 = arith.constant 240 : i32
    %swap3A = arith.constant 0 : i32
    %swap3A_39 = arith.index_cast %swap3A : i32 to index
    %swap3A_40 = arith.constant 0 : index
    %swap3A_41 = tpu.vector_load %arg6[%swap3A_39, %swap3A_40] {strides = array<i32>} : memref<8x128xf32, #tpu.memory_space<vmem>>, vector<1x16xf32>,
    %swap3A_42 = vector.shape_cast %swap3A_41 : vector<1x16xf32> to vector<16xf32>
    %swap3A_43 = vector.shape_cast %scan3A_37#0 : vector<16xf32> to vector<1x16xf32>
    tpu.vector_store %arg6[%swap3A_39, %swap3A_40], %swap3A_43 {strides = array<i32>} : memref<8x128xf32, #tpu.memory_space<vmem>>, vector<1x16xf32>,
    %swap3A_44 = arith.constant 0 : i32
    %swap3A_45 = arith.index_cast %swap3A_44 : i32 to index
    %swap3A_46 = arith.constant 16 : index
    %swap3A_47 = tpu.vector_load %arg6[%swap3A_45, %swap3A_46] {strides = array<i32>} : memref<8x128xf32, #tpu.memory_space<vmem>>, vector<1x16xf32>,
    %swap3A_48 = vector.shape_cast %swap3A_47 : vector<1x16xf32> to vector<16xf32>
    %swap3A_49 = vector.shape_cast %scan3A_37#1 : vector<16xf32> to vector<1x16xf32>
    tpu.vector_store %arg6[%swap3A_45, %swap3A_46], %swap3A_49 {strides = array<i32>} : memref<8x128xf32, #tpu.memory_space<vmem>>, vector<1x16xf32>,
    %swap3A_50 = arith.constant 0 : i32
    %swap3A_51 = arith.index_cast %swap3A_50 : i32 to index
    %swap3A_52 = arith.constant 32 : index
    %swap3A_53 = tpu.vector_load %arg6[%swap3A_51, %swap3A_52] {strides = array<i32>} : memref<8x128xf32, #tpu.memory_space<vmem>>, vector<1x16xf32>,
    %swap3A_54 = vector.shape_cast %swap3A_53 : vector<1x16xf32> to vector<16xf32>
    %swap3A_55 = vector.shape_cast %scan3A_37#2 : vector<16xf32> to vector<1x16xf32>
    tpu.vector_store %arg6[%swap3A_51, %swap3A_52], %swap3A_55 {strides = array<i32>} : memref<8x128xf32, #tpu.memory_space<vmem>>, vector<1x16xf32>,
    %swap3A_56 = arith.constant 0 : i32
    %swap3A_57 = arith.index_cast %swap3A_56 : i32 to index
    %swap3A_58 = arith.constant 48 : index
    %swap3A_59 = tpu.vector_load %arg6[%swap3A_57, %swap3A_58] {strides = array<i32>} : memref<8x128xf32, #tpu.memory_space<vmem>>, vector<1x16xf32>,
    %swap3A_60 = vector.shape_cast %swap3A_59 : vector<1x16xf32> to vector<16xf32>
    %swap3A_61 = vector.shape_cast %scan3A_37#3 : vector<16xf32> to vector<1x16xf32>
    tpu.vector_store %arg6[%swap3A_57, %swap3A_58], %swap3A_61 {strides = array<i32>} : memref<8x128xf32, #tpu.memory_space<vmem>>, vector<1x16xf32>,
    %swap3A_62 = arith.constant 0 : i32
    %swap3A_63 = arith.index_cast %swap3A_62 : i32 to index
    %swap3A_64 = arith.constant 64 : index
    %swap3A_65 = tpu.vector_load %arg6[%swap3A_63, %swap3A_64] {strides = array<i32>} : memref<8x128xf32, #tpu.memory_space<vmem>>, vector<1x16xf32>,
    %swap3A_66 = vector.shape_cast %swap3A_65 : vector<1x16xf32> to vector<16xf32>
    %swap3A_67 = vector.shape_cast %scan3A_37#4 : vector<16xf32> to vector<1x16xf32>
    tpu.vector_store %arg6[%swap3A_63, %swap3A_64], %swap3A_67 {strides = array<i32>} : memref<8x128xf32, #tpu.memory_space<vmem>>, vector<1x16xf32>,
    %swap3A_68 = arith.constant 0 : i32
    %swap3A_69 = arith.index_cast %swap3A_68 : i32 to index
    %swap3A_70 = arith.constant 80 : index
    %swap3A_71 = tpu.vector_load %arg6[%swap3A_69, %swap3A_70] {strides = array<i32>} : memref<8x128xf32, #tpu.memory_space<vmem>>, vector<1x16xf32>,
    %swap3A_72 = vector.shape_cast %swap3A_71 : vector<1x16xf32> to vector<16xf32>
    %swap3A_73 = vector.shape_cast %scan3A_37#5 : vector<16xf32> to vector<1x16xf32>
    tpu.vector_store %arg6[%swap3A_69, %swap3A_70], %swap3A_73 {strides = array<i32>} : memref<8x128xf32, #tpu.memory_space<vmem>>, vector<1x16xf32>,
    %swap3A_74 = arith.constant 0 : i32
    %swap3A_75 = arith.index_cast %swap3A_74 : i32 to index
    %swap3A_76 = arith.constant 96 : index
    %swap3A_77 = tpu.vector_load %arg6[%swap3A_75, %swap3A_76] {strides = array<i32>} : memref<8x128xf32, #tpu.memory_space<vmem>>, vector<1x16xf32>,
    %swap3A_78 = vector.shape_cast %swap3A_77 : vector<1x16xf32> to vector<16xf32>
    %swap3A_79 = vector.shape_cast %scan3A_37#6 : vector<16xf32> to vector<1x16xf32>
    tpu.vector_store %arg6[%swap3A_75, %swap3A_76], %swap3A_79 {strides = array<i32>} : memref<8x128xf32, #tpu.memory_space<vmem>>, vector<1x16xf32>,
    %swap3A_80 = arith.constant 0 : i32
    %swap3A_81 = arith.index_cast %swap3A_80 : i32 to index
    %swap3A_82 = arith.constant 112 : index
    %swap3A_83 = tpu.vector_load %arg6[%swap3A_81, %swap3A_82] {strides = array<i32>} : memref<8x128xf32, #tpu.memory_space<vmem>>, vector<1x16xf32>,
    %swap3A_84 = vector.shape_cast %swap3A_83 : vector<1x16xf32> to vector<16xf32>
    %swap3A_85 = vector.shape_cast %scan3A_37#7 : vector<16xf32> to vector<1x16xf32>
    tpu.vector_store %arg6[%swap3A_81, %swap3A_82], %swap3A_85 {strides = array<i32>} : memref<8x128xf32, #tpu.memory_space<vmem>>, vector<1x16xf32>,
    %broadcast_in_dim3A_86 = arith.constant 0.000000e+00 : f32
    %broadcast_in_dim3A_87 = vector.broadcast %broadcast_in_dim3A_86 : f32 to vector<128xf32>
    %swap3A_88 = arith.constant 1 : i32
    %swap3A_89 = arith.index_cast %swap3A_88 : i32 to index
    %swap3A_90 = arith.constant 0 : index
    %swap3A_91 = tpu.vector_load %arg6[%swap3A_89, %swap3A_90] {strides = array<i32>} : memref<8x128xf32, #tpu.memory_space<vmem>>, vector<1x128xf32>,
    %swap3A_92 = vector.shape_cast %swap3A_91 : vector<1x128xf32> to vector<128xf32>
    %swap3A_93 = vector.shape_cast %broadcast_in_dim3A_87 : vector<128xf32> to vector<1x128xf32>
    tpu.vector_store %arg6[%swap3A_89, %swap3A_90], %swap3A_93 {strides = array<i32>} : memref<8x128xf32, #tpu.memory_space<vmem>>, vector<1x128xf32>,
    %broadcast_in_dim3A_94 = arith.constant 0.000000e+00 : f32
    %broadcast_in_dim3A_95 = vector.broadcast %broadcast_in_dim3A_94 : f32 to vector<128xf32>
    %swap3A_96 = arith.constant 2 : i32
    %swap3A_97 = arith.index_cast %swap3A_96 : i32 to index
    %swap3A_98 = arith.constant 0 : index
    %swap3A_99 = tpu.vector_load %arg6[%swap3A_97, %swap3A_98] {strides = array<i32>} : memref<8x128xf32, #tpu.memory_space<vmem>>, vector<1x128xf32>,
    %swap3A_100 = vector.shape_cast %swap3A_99 : vector<1x128xf32> to vector<128xf32>
    %swap3A_101 = vector.shape_cast %broadcast_in_dim3A_95 : vector<128xf32> to vector<1x128xf32>
    tpu.vector_store %arg6[%swap3A_97, %swap3A_98], %swap3A_101 {strides = array<i32>} : memref<8x128xf32, #tpu.memory_space<vmem>>, vector<1x128xf32>,
    %broadcast_in_dim3A_102 = arith.constant 0.000000e+00 : f32
    %broadcast_in_dim3A_103 = vector.broadcast %broadcast_in_dim3A_102 : f32 to vector<128xf32>
    %swap3A_104 = arith.constant 3 : i32
    %swap3A_105 = arith.index_cast %swap3A_104 : i32 to index
    %swap3A_106 = arith.constant 0 : index
    %swap3A_107 = tpu.vector_load %arg6[%swap3A_105, %swap3A_106] {strides = array<i32>} : memref<8x128xf32, #tpu.memory_space<vmem>>, vector<1x128xf32>,
    %swap3A_108 = vector.shape_cast %swap3A_107 : vector<1x128xf32> to vector<128xf32>
    %swap3A_109 = vector.shape_cast %broadcast_in_dim3A_103 : vector<128xf32> to vector<1x128xf32>
    tpu.vector_store %arg6[%swap3A_105, %swap3A_106], %swap3A_109 {strides = array<i32>} : memref<8x128xf32, #tpu.memory_space<vmem>>, vector<1x128xf32>,
    %broadcast_in_dim3A_110 = arith.constant 0.000000e+00 : f32
    %broadcast_in_dim3A_111 = vector.broadcast %broadcast_in_dim3A_110 : f32 to vector<128xf32>
    %swap3A_112 = arith.constant 4 : i32
    %swap3A_113 = arith.index_cast %swap3A_112 : i32 to index
    %swap3A_114 = arith.constant 0 : index
    %swap3A_115 = tpu.vector_load %arg6[%swap3A_113, %swap3A_114] {strides = array<i32>} : memref<8x128xf32, #tpu.memory_space<vmem>>, vector<1x128xf32>,
    %swap3A_116 = vector.shape_cast %swap3A_115 : vector<1x128xf32> to vector<128xf32>
    %swap3A_117 = vector.shape_cast %broadcast_in_dim3A_111 : vector<128xf32> to vector<1x128xf32>
    tpu.vector_store %arg6[%swap3A_113, %swap3A_114], %swap3A_117 {strides = array<i32>} : memref<8x128xf32, #tpu.memory_space<vmem>>, vector<1x128xf32>,
    %broadcast_in_dim3A_118 = arith.constant 0.000000e+00 : f32
    %broadcast_in_dim3A_119 = vector.broadcast %broadcast_in_dim3A_118 : f32 to vector<128xf32>
    %swap3A_120 = arith.constant 5 : i32
    %swap3A_121 = arith.index_cast %swap3A_120 : i32 to index
    %swap3A_122 = arith.constant 0 : index
    %swap3A_123 = tpu.vector_load %arg6[%swap3A_121, %swap3A_122] {strides = array<i32>} : memref<8x128xf32, #tpu.memory_space<vmem>>, vector<1x128xf32>,
    %swap3A_124 = vector.shape_cast %swap3A_123 : vector<1x128xf32> to vector<128xf32>
    %swap3A_125 = vector.shape_cast %broadcast_in_dim3A_119 : vector<128xf32> to vector<1x128xf32>
    tpu.vector_store %arg6[%swap3A_121, %swap3A_122], %swap3A_125 {strides = array<i32>} : memref<8x128xf32, #tpu.memory_space<vmem>>, vector<1x128xf32>,
    %broadcast_in_dim3A_126 = arith.constant 0.000000e+00 : f32
    %broadcast_in_dim3A_127 = vector.broadcast %broadcast_in_dim3A_126 : f32 to vector<128xf32>
    %swap3A_128 = arith.constant 6 : i32
    %swap3A_129 = arith.index_cast %swap3A_128 : i32 to index
    %swap3A_130 = arith.constant 0 : index
    %swap3A_131 = tpu.vector_load %arg6[%swap3A_129, %swap3A_130] {strides = array<i32>} : memref<8x128xf32, #tpu.memory_space<vmem>>, vector<1x128xf32>,
    %swap3A_132 = vector.shape_cast %swap3A_131 : vector<1x128xf32> to vector<128xf32>
    %swap3A_133 = vector.shape_cast %broadcast_in_dim3A_127 : vector<128xf32> to vector<1x128xf32>
    tpu.vector_store %arg6[%swap3A_129, %swap3A_130], %swap3A_133 {strides = array<i32>} : memref<8x128xf32, #tpu.memory_space<vmem>>, vector<1x128xf32>,
    %broadcast_in_dim3A_134 = arith.constant 0.000000e+00 : f32
    %broadcast_in_dim3A_135 = vector.broadcast %broadcast_in_dim3A_134 : f32 to vector<128xf32>
    %swap3A_136 = arith.constant 7 : i32
    %swap3A_137 = arith.index_cast %swap3A_136 : i32 to index
    %swap3A_138 = arith.constant 0 : index
    %swap3A_139 = tpu.vector_load %arg6[%swap3A_137, %swap3A_138] {strides = array<i32>} : memref<8x128xf32, #tpu.memory_space<vmem>>, vector<1x128xf32>,
    %swap3A_140 = vector.shape_cast %swap3A_139 : vector<1x128xf32> to vector<128xf32>
    %swap3A_141 = vector.shape_cast %broadcast_in_dim3A_135 : vector<128xf32> to vector<1x128xf32>
    tpu.vector_store %arg6[%swap3A_137, %swap3A_138], %swap3A_141 {strides = array<i32>} : memref<8x128xf32, #tpu.memory_space<vmem>>, vector<1x128xf32>,
    %mul3A_142 = arith.constant 8 : i32
    %mul3A_143 = arith.muli %add3A, %mul3A_142 : i32
    "tpu.region"() ({
      %run_scoped3A = tpu.sem_alloc : memref<!tpu.dma_semaphore, #tpu.memory_space<semaphore_mem>>
      %dma_start3A_144 = arith.constant 0 : i32
      %dma_start3A_145 = tpu.memref_slice %arg3[%mul3A_143, %dma_start3A_144] : memref<256x128xf32, #tpu.memory_space<hbm>> -> memref<8x128xf32, #tpu.memory_space<hbm>>
      %dma_start3A_146 = arith.constant 0 : i32
      %dma_start3A_147 = tpu.memref_slice %arg3[%mul3A_143, %dma_start3A_146] : memref<256x128xf32, #tpu.memory_space<hbm>> -> memref<8x128xf32, #tpu.memory_space<hbm>>
      tpu.enqueue_dma source(%arg6 : memref<8x128xf32, #tpu.memory_space<vmem>>) target(%dma_start3A_147 : memref<8x128xf32, #tpu.memory_space<hbm>>) target_semaphore(%run_scoped3A : memref<!tpu.dma_semaphore, #tpu.memory_space<semaphore_mem>>)
      %dma_wait3A_148 = arith.constant 0 : i32
      %dma_wait3A_149 = tpu.memref_slice %arg3[%mul3A_143, %dma_wait3A_148] : memref<256x128xf32, #tpu.memory_space<hbm>> -> memref<8x128xf32, #tpu.memory_space<hbm>>
      %dma_wait3A_150 = arith.constant 0 : i32
      %dma_wait3A_151 = tpu.memref_slice %arg3[%mul3A_143, %dma_wait3A_150] : memref<256x128xf32, #tpu.memory_space<hbm>> -> memref<8x128xf32, #tpu.memory_space<hbm>>
      tpu.wait_dma2 semaphore(%run_scoped3A : memref<!tpu.dma_semaphore, #tpu.memory_space<semaphore_mem>>) src(%arg6 : memref<8x128xf32, #tpu.memory_space<vmem>>) dst(%dma_wait3A_151 : memref<8x128xf32, #tpu.memory_space<hbm>>)
      tpu.yield
    }) : () -> ()
    return
  }
}

module attributes {stable_mosaic.version = 14 : i64} {
  func.func @_tc_fin_body(%arg0: memref<1x128xf32, #tpu.memory_space<vmem>>, %arg1: memref<256x128xf32, #tpu.memory_space<vmem>>, %arg2: memref<160x128xf32, #tpu.memory_space<vmem>>, %arg3: memref<16x3200xf32, #tpu.memory_space<vmem>>, %arg4: memref<128x128xf32, #tpu.memory_space<vmem>>, %arg5: memref<16x128xf32, #tpu.memory_space<vmem>>, %arg6: memref<128x128xf32, #tpu.memory_space<vmem>>, %arg7: memref<1x128xf32, #tpu.memory_space<vmem>>, %arg8: memref<1x128xf32, #tpu.memory_space<vmem>>) attributes {dimension_semantics = [], scalar_prefetch = 0 : i64, scratch_operands = 0 : i64, tpu.core_type = #tpu.core_type<tc>} {
    %get3A = arith.constant 0 : index
    %get3A_0 = arith.constant 0 : index
    %get3A_1 = vector.load %arg3[%get3A, %get3A_0] : memref<16x3200xf32, #tpu.memory_space<vmem>>, vector<16x3200xf32>
    %broadcast_in_dim3A = arith.constant 1.000000e+00 : f32
    %broadcast_in_dim3A_2 = vector.broadcast %broadcast_in_dim3A : f32 to vector<3200x1xf32>
    %dot_general3A = arith.constant dense<0.000000e+00> : vector<16x1xf32>
    %dot_general3A_3 = tpu.matmul %get3A_1, %broadcast_in_dim3A_2, %dot_general3A {dimension_numbers = #tpu.dot_dimension_numbers<[1], [0], [0], [1], [0, 0, 1, 1], [], []>, transpose_lhs_hint = false} : vector<16x3200xf32>, vector<3200x1xf32>, vector<16x1xf32> -> vector<16x1xf32>
    %get3A_4 = arith.constant 0 : index
    %get3A_5 = arith.constant 0 : index
    %get3A_6 = vector.load %arg5[%get3A_4, %get3A_5] : memref<16x128xf32, #tpu.memory_space<vmem>>, vector<16x128xf32>
    %dot_general3A_7 = arith.constant dense<0.000000e+00> : vector<1x128xf32>
    %dot_general3A_8 = tpu.matmul %dot_general3A_3, %get3A_6, %dot_general3A_7 {dimension_numbers = #tpu.dot_dimension_numbers<[0], [0], [1], [1], [0, 1, 1, 1], [], []>, transpose_lhs_hint = false} : vector<16x1xf32>, vector<16x128xf32>, vector<1x128xf32> -> vector<1x128xf32>
    %get3A_9 = arith.constant 0 : index
    %get3A_10 = arith.constant 0 : index
    %get3A_11 = vector.load %arg1[%get3A_9, %get3A_10] : memref<256x128xf32, #tpu.memory_space<vmem>>, vector<256x128xf32>
    %reduce_sum3A = arith.constant dense<0.000000e+00> : vector<128xf32>
    %reduce_sum3A_12 = vector.multi_reduction <add>, %get3A_11, %reduce_sum3A [0] : vector<256x128xf32> to vector<128xf32>
    %broadcast_in_dim3A_13 = vector.shape_cast %reduce_sum3A_12 : vector<128xf32> to vector<1x128xf32>
    %get3A_14 = arith.constant 0 : index
    %get3A_15 = arith.constant 0 : index
    %get3A_16 = vector.load %arg2[%get3A_14, %get3A_15] : memref<160x128xf32, #tpu.memory_space<vmem>>, vector<160x128xf32>
    %reduce_sum3A_17 = arith.constant dense<0.000000e+00> : vector<128xf32>
    %reduce_sum3A_18 = vector.multi_reduction <add>, %get3A_16, %reduce_sum3A_17 [0] : vector<160x128xf32> to vector<128xf32>
    %broadcast_in_dim3A_19 = vector.shape_cast %reduce_sum3A_18 : vector<128xf32> to vector<1x128xf32>
    %add3A = arith.addf %broadcast_in_dim3A_13, %broadcast_in_dim3A_19 : vector<1x128xf32>
    %mul3A = arith.constant 9.99999974E-6 : f32
    %mul3A_20 = vector.broadcast %mul3A : f32 to vector<1x128xf32>
    %mul3A_21 = arith.mulf %add3A, %mul3A_20 : vector<1x128xf32>
    %get3A_22 = arith.constant 0 : index
    %get3A_23 = arith.constant 0 : index
    %get3A_24 = vector.load %arg0[%get3A_22, %get3A_23] : memref<1x128xf32, #tpu.memory_space<vmem>>, vector<1x128xf32>
    %get3A_25 = arith.constant 0 : index
    %get3A_26 = arith.constant 0 : index
    %get3A_27 = vector.load %arg4[%get3A_25, %get3A_26] : memref<128x128xf32, #tpu.memory_space<vmem>>, vector<128x128xf32>
    %dot_general3A_28 = arith.constant dense<0.000000e+00> : vector<1x128xf32>
    %dot_general3A_29 = tpu.matmul %get3A_24, %get3A_27, %dot_general3A_28 {dimension_numbers = #tpu.dot_dimension_numbers<[1], [0], [0], [1], [0, 0, 1, 1], [], []>, transpose_lhs_hint = false} : vector<1x128xf32>, vector<128x128xf32>, vector<1x128xf32> -> vector<1x128xf32>
    %mul3A_30 = arith.constant 3.125000e-07 : f32
    %mul3A_31 = vector.broadcast %mul3A_30 : f32 to vector<1x128xf32>
    %mul3A_32 = arith.mulf %dot_general3A_8, %mul3A_31 : vector<1x128xf32>
    %add3A_33 = arith.addf %dot_general3A_29, %mul3A_32 : vector<1x128xf32>
    %get3A_34 = arith.constant 0 : index
    %get3A_35 = arith.constant 0 : index
    %get3A_36 = vector.load %arg6[%get3A_34, %get3A_35] : memref<128x128xf32, #tpu.memory_space<vmem>>, vector<128x128xf32>
    %dot_general3A_37 = arith.constant dense<0.000000e+00> : vector<1x128xf32>
    %dot_general3A_38 = tpu.matmul %mul3A_21, %get3A_36, %dot_general3A_37 {dimension_numbers = #tpu.dot_dimension_numbers<[1], [0], [0], [1], [0, 0, 1, 1], [], []>, transpose_lhs_hint = false} : vector<1x128xf32>, vector<128x128xf32>, vector<1x128xf32> -> vector<1x128xf32>
    %add3A_39 = arith.addf %add3A_33, %dot_general3A_38 : vector<1x128xf32>
    %get3A_40 = arith.constant 0 : index
    %get3A_41 = arith.constant 0 : index
    %get3A_42 = vector.load %arg7[%get3A_40, %get3A_41] : memref<1x128xf32, #tpu.memory_space<vmem>>, vector<1x128xf32>
    %add3A_43 = arith.addf %add3A_39, %get3A_42 : vector<1x128xf32>
    %swap3A = arith.constant 0 : index
    %swap3A_44 = arith.constant 0 : index
    %swap3A_45 = vector.load %arg8[%swap3A, %swap3A_44] : memref<1x128xf32, #tpu.memory_space<vmem>>, vector<1x128xf32>
    tpu.vector_store %arg8[%swap3A, %swap3A_44], %add3A_43 {strides = array<i32>} : memref<1x128xf32, #tpu.memory_space<vmem>>, vector<1x128xf32>,
    return
  }
}

module attributes {stable_mosaic.version = 14 : i64} {
  func.func @_tc_edges_body(%arg0: i32, %arg1: memref<16x128000xf32, #tpu.memory_space<vmem>>, %arg2: memref<16x3200xf32, #tpu.memory_space<vmem>>, %arg3: memref<16x3200xf32, #tpu.memory_space<vmem>>) attributes {dimension_semantics = [#tpu.dimension_semantics<arbitrary>], iteration_bounds = array<i64: 25>, scalar_prefetch = 0 : i64, scratch_operands = 1 : i64, tpu.core_type = #tpu.core_type<tc>, window_params = [{transform_indices = @transform_0, window_bounds = array<i64: 16, 128000>}, {pipeline_mode = #tpu.pipeline_mode<synchronous>, transform_indices = @transform_1, window_bounds = array<i64: 16, 3200>}]} {
    %eq3A = arith.constant 0 : i32
    %eq3A_0 = arith.cmpi eq, %arg0, %eq3A : i32
    %convert_element_type3A = arith.extui %eq3A_0 : i1 to i32
    %cond3A = arith.constant 0 : i32
    %cond3A_1 = arith.cmpi ne, %convert_element_type3A, %cond3A : i32
    scf.if %cond3A_1 {
      %broadcast_in_dim3A = arith.constant 0.000000e+00 : f32
      %broadcast_in_dim3A_170 = vector.broadcast %broadcast_in_dim3A : f32 to vector<16x3200xf32>
      %swap3A_171 = arith.constant 0 : index
      %swap3A_172 = arith.constant 0 : index
      %swap3A_173 = vector.load %arg3[%swap3A_171, %swap3A_172] : memref<16x3200xf32, #tpu.memory_space<vmem>>, vector<16x3200xf32>
      tpu.vector_store %arg3[%swap3A_171, %swap3A_172], %broadcast_in_dim3A_170 {strides = array<i32>} : memref<16x3200xf32, #tpu.memory_space<vmem>>, vector<16x3200xf32>,
    } else {
    }
    %get3A = arith.constant 0 : index
    %get3A_2 = arith.constant 0 : index
    %get3A_3 = vector.load %arg3[%get3A, %get3A_2] : memref<16x3200xf32, #tpu.memory_space<vmem>>, vector<16x3200xf32>
    %get3A_4 = arith.constant 0 : index
    %get3A_5 = arith.constant 0 : index
    %get3A_6 = vector.load %arg1[%get3A_4, %get3A_5] : memref<16x128000xf32, #tpu.memory_space<vmem>>, vector<16x3200xf32>
    %add3A = arith.addf %get3A_3, %get3A_6 : vector<16x3200xf32>
    %get3A_7 = arith.constant 0 : index
    %get3A_8 = arith.constant 3200 : index
    %get3A_9 = vector.load %arg1[%get3A_7, %get3A_8] : memref<16x128000xf32, #tpu.memory_space<vmem>>, vector<16x3200xf32>
    %add3A_10 = arith.addf %add3A, %get3A_9 : vector<16x3200xf32>
    %get3A_11 = arith.constant 0 : index
    %get3A_12 = arith.constant 6400 : index
    %get3A_13 = vector.load %arg1[%get3A_11, %get3A_12] : memref<16x128000xf32, #tpu.memory_space<vmem>>, vector<16x3200xf32>
    %add3A_14 = arith.addf %add3A_10, %get3A_13 : vector<16x3200xf32>
    %get3A_15 = arith.constant 0 : index
    %get3A_16 = arith.constant 9600 : index
    %get3A_17 = vector.load %arg1[%get3A_15, %get3A_16] : memref<16x128000xf32, #tpu.memory_space<vmem>>, vector<16x3200xf32>
    %add3A_18 = arith.addf %add3A_14, %get3A_17 : vector<16x3200xf32>
    %get3A_19 = arith.constant 0 : index
    %get3A_20 = arith.constant 12800 : index
    %get3A_21 = vector.load %arg1[%get3A_19, %get3A_20] : memref<16x128000xf32, #tpu.memory_space<vmem>>, vector<16x3200xf32>
    %add3A_22 = arith.addf %add3A_18, %get3A_21 : vector<16x3200xf32>
    %get3A_23 = arith.constant 0 : index
    %get3A_24 = arith.constant 16000 : index
    %get3A_25 = vector.load %arg1[%get3A_23, %get3A_24] : memref<16x128000xf32, #tpu.memory_space<vmem>>, vector<16x3200xf32>
    %add3A_26 = arith.addf %add3A_22, %get3A_25 : vector<16x3200xf32>
    %get3A_27 = arith.constant 0 : index
    %get3A_28 = arith.constant 19200 : index
    %get3A_29 = vector.load %arg1[%get3A_27, %get3A_28] : memref<16x128000xf32, #tpu.memory_space<vmem>>, vector<16x3200xf32>
    %add3A_30 = arith.addf %add3A_26, %get3A_29 : vector<16x3200xf32>
    %get3A_31 = arith.constant 0 : index
    %get3A_32 = arith.constant 22400 : index
    %get3A_33 = vector.load %arg1[%get3A_31, %get3A_32] : memref<16x128000xf32, #tpu.memory_space<vmem>>, vector<16x3200xf32>
    %add3A_34 = arith.addf %add3A_30, %get3A_33 : vector<16x3200xf32>
    %get3A_35 = arith.constant 0 : index
    %get3A_36 = arith.constant 25600 : index
    %get3A_37 = vector.load %arg1[%get3A_35, %get3A_36] : memref<16x128000xf32, #tpu.memory_space<vmem>>, vector<16x3200xf32>
    %add3A_38 = arith.addf %add3A_34, %get3A_37 : vector<16x3200xf32>
    %get3A_39 = arith.constant 0 : index
    %get3A_40 = arith.constant 28800 : index
    %get3A_41 = vector.load %arg1[%get3A_39, %get3A_40] : memref<16x128000xf32, #tpu.memory_space<vmem>>, vector<16x3200xf32>
    %add3A_42 = arith.addf %add3A_38, %get3A_41 : vector<16x3200xf32>
    %get3A_43 = arith.constant 0 : index
    %get3A_44 = arith.constant 32000 : index
    %get3A_45 = vector.load %arg1[%get3A_43, %get3A_44] : memref<16x128000xf32, #tpu.memory_space<vmem>>, vector<16x3200xf32>
    %add3A_46 = arith.addf %add3A_42, %get3A_45 : vector<16x3200xf32>
    %get3A_47 = arith.constant 0 : index
    %get3A_48 = arith.constant 35200 : index
    %get3A_49 = vector.load %arg1[%get3A_47, %get3A_48] : memref<16x128000xf32, #tpu.memory_space<vmem>>, vector<16x3200xf32>
    %add3A_50 = arith.addf %add3A_46, %get3A_49 : vector<16x3200xf32>
    %get3A_51 = arith.constant 0 : index
    %get3A_52 = arith.constant 38400 : index
    %get3A_53 = vector.load %arg1[%get3A_51, %get3A_52] : memref<16x128000xf32, #tpu.memory_space<vmem>>, vector<16x3200xf32>
    %add3A_54 = arith.addf %add3A_50, %get3A_53 : vector<16x3200xf32>
    %get3A_55 = arith.constant 0 : index
    %get3A_56 = arith.constant 41600 : index
    %get3A_57 = vector.load %arg1[%get3A_55, %get3A_56] : memref<16x128000xf32, #tpu.memory_space<vmem>>, vector<16x3200xf32>
    %add3A_58 = arith.addf %add3A_54, %get3A_57 : vector<16x3200xf32>
    %get3A_59 = arith.constant 0 : index
    %get3A_60 = arith.constant 44800 : index
    %get3A_61 = vector.load %arg1[%get3A_59, %get3A_60] : memref<16x128000xf32, #tpu.memory_space<vmem>>, vector<16x3200xf32>
    %add3A_62 = arith.addf %add3A_58, %get3A_61 : vector<16x3200xf32>
    %get3A_63 = arith.constant 0 : index
    %get3A_64 = arith.constant 48000 : index
    %get3A_65 = vector.load %arg1[%get3A_63, %get3A_64] : memref<16x128000xf32, #tpu.memory_space<vmem>>, vector<16x3200xf32>
    %add3A_66 = arith.addf %add3A_62, %get3A_65 : vector<16x3200xf32>
    %get3A_67 = arith.constant 0 : index
    %get3A_68 = arith.constant 51200 : index
    %get3A_69 = vector.load %arg1[%get3A_67, %get3A_68] : memref<16x128000xf32, #tpu.memory_space<vmem>>, vector<16x3200xf32>
    %add3A_70 = arith.addf %add3A_66, %get3A_69 : vector<16x3200xf32>
    %get3A_71 = arith.constant 0 : index
    %get3A_72 = arith.constant 54400 : index
    %get3A_73 = vector.load %arg1[%get3A_71, %get3A_72] : memref<16x128000xf32, #tpu.memory_space<vmem>>, vector<16x3200xf32>
    %add3A_74 = arith.addf %add3A_70, %get3A_73 : vector<16x3200xf32>
    %get3A_75 = arith.constant 0 : index
    %get3A_76 = arith.constant 57600 : index
    %get3A_77 = vector.load %arg1[%get3A_75, %get3A_76] : memref<16x128000xf32, #tpu.memory_space<vmem>>, vector<16x3200xf32>
    %add3A_78 = arith.addf %add3A_74, %get3A_77 : vector<16x3200xf32>
    %get3A_79 = arith.constant 0 : index
    %get3A_80 = arith.constant 60800 : index
    %get3A_81 = vector.load %arg1[%get3A_79, %get3A_80] : memref<16x128000xf32, #tpu.memory_space<vmem>>, vector<16x3200xf32>
    %add3A_82 = arith.addf %add3A_78, %get3A_81 : vector<16x3200xf32>
    %get3A_83 = arith.constant 0 : index
    %get3A_84 = arith.constant 64000 : index
    %get3A_85 = vector.load %arg1[%get3A_83, %get3A_84] : memref<16x128000xf32, #tpu.memory_space<vmem>>, vector<16x3200xf32>
    %add3A_86 = arith.addf %add3A_82, %get3A_85 : vector<16x3200xf32>
    %get3A_87 = arith.constant 0 : index
    %get3A_88 = arith.constant 67200 : index
    %get3A_89 = vector.load %arg1[%get3A_87, %get3A_88] : memref<16x128000xf32, #tpu.memory_space<vmem>>, vector<16x3200xf32>
    %add3A_90 = arith.addf %add3A_86, %get3A_89 : vector<16x3200xf32>
    %get3A_91 = arith.constant 0 : index
    %get3A_92 = arith.constant 70400 : index
    %get3A_93 = vector.load %arg1[%get3A_91, %get3A_92] : memref<16x128000xf32, #tpu.memory_space<vmem>>, vector<16x3200xf32>
    %add3A_94 = arith.addf %add3A_90, %get3A_93 : vector<16x3200xf32>
    %get3A_95 = arith.constant 0 : index
    %get3A_96 = arith.constant 73600 : index
    %get3A_97 = vector.load %arg1[%get3A_95, %get3A_96] : memref<16x128000xf32, #tpu.memory_space<vmem>>, vector<16x3200xf32>
    %add3A_98 = arith.addf %add3A_94, %get3A_97 : vector<16x3200xf32>
    %get3A_99 = arith.constant 0 : index
    %get3A_100 = arith.constant 76800 : index
    %get3A_101 = vector.load %arg1[%get3A_99, %get3A_100] : memref<16x128000xf32, #tpu.memory_space<vmem>>, vector<16x3200xf32>
    %add3A_102 = arith.addf %add3A_98, %get3A_101 : vector<16x3200xf32>
    %get3A_103 = arith.constant 0 : index
    %get3A_104 = arith.constant 80000 : index
    %get3A_105 = vector.load %arg1[%get3A_103, %get3A_104] : memref<16x128000xf32, #tpu.memory_space<vmem>>, vector<16x3200xf32>
    %add3A_106 = arith.addf %add3A_102, %get3A_105 : vector<16x3200xf32>
    %get3A_107 = arith.constant 0 : index
    %get3A_108 = arith.constant 83200 : index
    %get3A_109 = vector.load %arg1[%get3A_107, %get3A_108] : memref<16x128000xf32, #tpu.memory_space<vmem>>, vector<16x3200xf32>
    %add3A_110 = arith.addf %add3A_106, %get3A_109 : vector<16x3200xf32>
    %get3A_111 = arith.constant 0 : index
    %get3A_112 = arith.constant 86400 : index
    %get3A_113 = vector.load %arg1[%get3A_111, %get3A_112] : memref<16x128000xf32, #tpu.memory_space<vmem>>, vector<16x3200xf32>
    %add3A_114 = arith.addf %add3A_110, %get3A_113 : vector<16x3200xf32>
    %get3A_115 = arith.constant 0 : index
    %get3A_116 = arith.constant 89600 : index
    %get3A_117 = vector.load %arg1[%get3A_115, %get3A_116] : memref<16x128000xf32, #tpu.memory_space<vmem>>, vector<16x3200xf32>
    %add3A_118 = arith.addf %add3A_114, %get3A_117 : vector<16x3200xf32>
    %get3A_119 = arith.constant 0 : index
    %get3A_120 = arith.constant 92800 : index
    %get3A_121 = vector.load %arg1[%get3A_119, %get3A_120] : memref<16x128000xf32, #tpu.memory_space<vmem>>, vector<16x3200xf32>
    %add3A_122 = arith.addf %add3A_118, %get3A_121 : vector<16x3200xf32>
    %get3A_123 = arith.constant 0 : index
    %get3A_124 = arith.constant 96000 : index
    %get3A_125 = vector.load %arg1[%get3A_123, %get3A_124] : memref<16x128000xf32, #tpu.memory_space<vmem>>, vector<16x3200xf32>
    %add3A_126 = arith.addf %add3A_122, %get3A_125 : vector<16x3200xf32>
    %get3A_127 = arith.constant 0 : index
    %get3A_128 = arith.constant 99200 : index
    %get3A_129 = vector.load %arg1[%get3A_127, %get3A_128] : memref<16x128000xf32, #tpu.memory_space<vmem>>, vector<16x3200xf32>
    %add3A_130 = arith.addf %add3A_126, %get3A_129 : vector<16x3200xf32>
    %get3A_131 = arith.constant 0 : index
    %get3A_132 = arith.constant 102400 : index
    %get3A_133 = vector.load %arg1[%get3A_131, %get3A_132] : memref<16x128000xf32, #tpu.memory_space<vmem>>, vector<16x3200xf32>
    %add3A_134 = arith.addf %add3A_130, %get3A_133 : vector<16x3200xf32>
    %get3A_135 = arith.constant 0 : index
    %get3A_136 = arith.constant 105600 : index
    %get3A_137 = vector.load %arg1[%get3A_135, %get3A_136] : memref<16x128000xf32, #tpu.memory_space<vmem>>, vector<16x3200xf32>
    %add3A_138 = arith.addf %add3A_134, %get3A_137 : vector<16x3200xf32>
    %get3A_139 = arith.constant 0 : index
    %get3A_140 = arith.constant 108800 : index
    %get3A_141 = vector.load %arg1[%get3A_139, %get3A_140] : memref<16x128000xf32, #tpu.memory_space<vmem>>, vector<16x3200xf32>
    %add3A_142 = arith.addf %add3A_138, %get3A_141 : vector<16x3200xf32>
    %get3A_143 = arith.constant 0 : index
    %get3A_144 = arith.constant 112000 : index
    %get3A_145 = vector.load %arg1[%get3A_143, %get3A_144] : memref<16x128000xf32, #tpu.memory_space<vmem>>, vector<16x3200xf32>
    %add3A_146 = arith.addf %add3A_142, %get3A_145 : vector<16x3200xf32>
    %get3A_147 = arith.constant 0 : index
    %get3A_148 = arith.constant 115200 : index
    %get3A_149 = vector.load %arg1[%get3A_147, %get3A_148] : memref<16x128000xf32, #tpu.memory_space<vmem>>, vector<16x3200xf32>
    %add3A_150 = arith.addf %add3A_146, %get3A_149 : vector<16x3200xf32>
    %get3A_151 = arith.constant 0 : index
    %get3A_152 = arith.constant 118400 : index
    %get3A_153 = vector.load %arg1[%get3A_151, %get3A_152] : memref<16x128000xf32, #tpu.memory_space<vmem>>, vector<16x3200xf32>
    %add3A_154 = arith.addf %add3A_150, %get3A_153 : vector<16x3200xf32>
    %get3A_155 = arith.constant 0 : index
    %get3A_156 = arith.constant 121600 : index
    %get3A_157 = vector.load %arg1[%get3A_155, %get3A_156] : memref<16x128000xf32, #tpu.memory_space<vmem>>, vector<16x3200xf32>
    %add3A_158 = arith.addf %add3A_154, %get3A_157 : vector<16x3200xf32>
    %get3A_159 = arith.constant 0 : index
    %get3A_160 = arith.constant 124800 : index
    %get3A_161 = vector.load %arg1[%get3A_159, %get3A_160] : memref<16x128000xf32, #tpu.memory_space<vmem>>, vector<16x3200xf32>
    %add3A_162 = arith.addf %add3A_158, %get3A_161 : vector<16x3200xf32>
    %swap3A = arith.constant 0 : index
    %swap3A_163 = arith.constant 0 : index
    %swap3A_164 = vector.load %arg3[%swap3A, %swap3A_163] : memref<16x3200xf32, #tpu.memory_space<vmem>>, vector<16x3200xf32>
    tpu.vector_store %arg3[%swap3A, %swap3A_163], %add3A_162 {strides = array<i32>} : memref<16x3200xf32, #tpu.memory_space<vmem>>, vector<16x3200xf32>,
    %eq3A_165 = arith.constant 24 : i32
    %eq3A_166 = arith.cmpi eq, %arg0, %eq3A_165 : i32
    %convert_element_type3A_167 = arith.extui %eq3A_166 : i1 to i32
    %cond3A_168 = arith.constant 0 : i32
    %cond3A_169 = arith.cmpi ne, %convert_element_type3A_167, %cond3A_168 : i32
    scf.if %cond3A_169 {
      %get3A_170 = arith.constant 0 : index
      %get3A_171 = arith.constant 0 : index
      %get3A_172 = vector.load %arg3[%get3A_170, %get3A_171] : memref<16x3200xf32, #tpu.memory_space<vmem>>, vector<16x3200xf32>
      %swap3A_173 = arith.constant 0 : index
      %swap3A_174 = arith.constant 0 : index
      %swap3A_175 = vector.load %arg2[%swap3A_173, %swap3A_174] : memref<16x3200xf32, #tpu.memory_space<vmem>>, vector<16x3200xf32>
      tpu.vector_store %arg2[%swap3A_173, %swap3A_174], %get3A_172 {strides = array<i32>} : memref<16x3200xf32, #tpu.memory_space<vmem>>, vector<16x3200xf32>,
    } else {
    }
    return
  }
  func.func @transform_0(%arg0: i32) -> (i32, i32) {
    %c0_i32 = arith.constant 0 : i32
    %c0_i32_0 = arith.constant 0 : i32
    return %c0_i32, %arg0 : i32, i32
  }
  func.func @transform_1(%arg0: i32) -> (i32, i32) {
    %c0_i32 = arith.constant 0 : i32
    %c0_i32_0 = arith.constant 0 : i32
    %c0_i32_1 = arith.constant 0 : i32
    return %c0_i32, %c0_i32_0 : i32, i32
  }
}

</mosaic_0001>

<sc_bundles>
// kernel: kernel.5.cloned.1.call-start
scs
__scs_entry_jumppad:
0x0: {  	(pc) =	sbr.rel $0x88, $3  }
0x1: {  	(tag) =	ssettag $0x0;
	lr =	simm.s32 $0x1  }
0x2: {  	[smem:$0x3F9C] =	sst lr;
	_ =	strace $0xD0000000  }
0x3: {  	_ = 	snop  }
0x4: {  	_ = 	snop  }
0x5: {  	_ = 	snop  }
0x6: {  	_ = 	snop  }
0x7: {  	_ = 	snop  }
__scs_overlays_trampoline_lowered:
0x8: {  	[smem:$0x3FAB] =	sst s0  }
0x9: {  	[smem:$0x3FAC] =	sst s1  }
0xa: {  	[smem:$0x3FAD] =	sst s2  }
0xb: {  	[smem:$0x3FAE] =	sst s3  }
0xc: {  	[smem:$0x3FAF] =	sst s4  }
0xd: {  	[smem:$0x3FB0] =	sst s5  }
0xe: {  	[smem:$0x3FB1] =	sst s6  }
0xf: {  	[smem:$0x3FB2] =	sst s7  }
0x10: {  	[smem:$0x3FB3] =	sst s8  }
0x11: {  	[smem:$0x3FB4] =	sst s9;
	s0 =	simm.s32 @!p0 $0x0  }
0x12: {  	s1 =	sld [smem:$0x3F9A];
	s0 =	simm.s32 @p0 $0x1  }
0x13: {  	[smem:$0x3FB5] =	sst s0;
	s0 =	simm.s32 @!p1 $0x0  }
0x14: {  	s2 =	sld [smem:$0x3F99];
	s0 =	simm.s32 @p1 $0x1  }
0x15: {  	[smem:$0x3FB6] =	sst s0;
	s0 =	simm.s32 @!p2 $0x0  }
0x16: {  	s3 =	sld [smem:$0x3FDB];
	s0 =	simm.s32 @p2 $0x1  }
0x17: {  	s4 =	simm.s32 $0x1BF5;
	[smem:$0x3FB8] =	sst s0  }
0x18: {  	s0 =	sld [smem:$0x3F9B];
	_ =	swait.ge [sflag:s4], $0x0  }
0x19: {  	s7 =	sld [smem:$0x3F9C]  }
0x1a: {  	s8 =	sadd.s32 $0xFFFFE003, lr  }
0x1b: {  	s9 =	sadd.s32 $0xFFFFFEF7, lr;
	s5 =	simm.s32 $0xFFFFFFFF;
	p2 =	slt.u32 s8, $0xFFFFF086  }
0x1c: {  	p1 =	slt.u32 s9, $0xF7A;
	s5 =	simm.s32 @!p2 $0x0  }
0x1d: {  	s5 =	simm.s32 @p1 $0x1;
	p0 =	seq.s32 s7, s2  }
0x1e: {  	s7 =	smul.u32 @!p0 $0xF7A, s2;
	p2 =	seq.s32 @!p0 s5, $0x0  }
0x1f: {  	s9 =	smul.u32 $0xF7A, s1;
	s8 =	simm.s32 @!p0 $0x1BF5;
	p2 =	por !p2, p0  }
0x20: {  	[sflag:s8] =	ssyncset.s32 @!p0 $0xFFFFF086;
	s6 =	sadd.s32 @!p0 s3, s7;
	s7 =	simm.s32 @!p0 $0x108  }
0x21: {  	s3 =	sadd.s32 s3, s9;
	s6 =	sadd.s32 @!p0 $0x88, s6;
	s7 =	simm.s32 @p2 $0x1082  }
0x22: {  	[simem:s7], [sflag:s8] =	dma.local @!p0 [hbm:s6], $0xF7A  }
0x23: {  	s9 =	sor.u32 $0xD0000000, s2;
	s6 =	simm.s32 $0x108;
	_ =	swait.ge @!p0 [sflag:s8], $0x0  }
0x24: {  	s3 =	sadd.s32 $0x88, s3;
	s6 =	simm.s32 @!p1 $0x1082;
	[sflag:s4] =	ssyncset.s32 $0xFFFFF086  }
0x25: {  	[simem:s6], [sflag:s4] =	dma.local [hbm:s3], $0xF7A  }
0x26: {  	[smem:$0x3F9C] =	sst s1;
	(tag) =	ssettag s2;
	_ =	strace s9  }
0x27: {  	s1 =	sld [smem:$0x3FAC]  }
0x28: {  	s2 =	sld [smem:$0x3FAD]  }
0x29: {  	s4 =	sld [smem:$0x3FAF]  }
0x2a: {  	p0 =	seq.s32 s5, $0x0;
	s5 =	sld [smem:$0x3FB0]  }
0x2b: {  	s6 =	sld [smem:$0x3FB1]  }
0x2c: {  	s7 =	sld [smem:$0x3FB2]  }
0x2d: {  	s3 =	simm.s32 $0x108;
	s8 =	sld [smem:$0x3FB3]  }
0x2e: {  	s3 =	simm.s32 @!p0 $0x1082;
	s9 =	sld [smem:$0x3FB4]  }
0x2f: {  	lr =	sadd.s32 s0, s3;
	s0 =	sld [smem:$0x3FAB]  }
0x30: {  	s3 =	sld [smem:$0x3FAE]  }
0x31: {  	[smem:$0x3FB7] =	sst s10  }
0x32: {  	s10 =	sld [smem:$0x3FB5];
	_ =	sdelay $0x3  }
0x33: {  	p0 =	seq.s32 s10, $0x1;
	s10 =	sld [smem:$0x3FB7];
	_ =	sdelay $0x3  }
0x34: {  	[smem:$0x3FB7] =	sst s10  }
0x35: {  	s10 =	sld [smem:$0x3FB6];
	_ =	sdelay $0x3  }
0x36: {  	p1 =	seq.s32 s10, $0x1;
	s10 =	sld [smem:$0x3FB7];
	_ =	sdelay $0x3  }
0x37: {  	[smem:$0x3FB7] =	sst s10  }
0x38: {  	s10 =	sld [smem:$0x3FB8]  }
0x39: {  	_ = 	snop;
	(pc) =	sbr.ind lr, $3  }
0x3a: {  	_ = 	snop  }
0x3b: {  	_ = 	snop  }
0x3c: {  	p2 =	seq.s32 s10, $0x1;
	s10 =	sld [smem:$0x3FB7]  }
0x3d: {  	_ =	shalt  }
0x3e: {  	_ =	shalt  }
0x3f: {  	_ =	shalt  }
0x40: {  	_ =	shalt  }
0x41: {  	_ =	shalt  }
0x42: {  	_ =	shalt  }
0x43: {  	_ =	shalt  }
0x44: {  	_ =	shalt  }
0x45: {  	_ =	shalt  }
0x46: {  	_ =	shalt  }
0x47: {  	_ =	shalt  }
0x48: {  	_ =	shalt  }
0x49: {  	_ =	shalt  }
0x4a: {  	_ =	shalt  }
0x4b: {  	_ =	shalt  }
0x4c: {  	_ =	shalt  }
0x4d: {  	_ =	shalt  }
0x4e: {  	_ =	shalt  }
0x4f: {  	_ =	shalt  }
0x50: {  	_ =	shalt  }
0x51: {  	_ =	shalt  }
0x52: {  	_ =	shalt  }
0x53: {  	_ =	shalt  }
0x54: {  	_ =	shalt  }
0x55: {  	_ =	shalt  }
0x56: {  	_ =	shalt  }
0x57: {  	_ =	shalt  }
0x58: {  	_ =	shalt  }
0x59: {  	_ =	shalt  }
0x5a: {  	_ =	shalt  }
0x5b: {  	_ =	shalt  }
0x5c: {  	_ =	shalt  }
0x5d: {  	_ =	shalt  }
0x5e: {  	_ =	shalt  }
0x5f: {  	_ =	shalt  }
0x60: {  	_ =	shalt  }
0x61: {  	_ =	shalt  }
0x62: {  	_ =	shalt  }
0x63: {  	_ =	shalt  }
0x64: {  	_ =	shalt  }
0x65: {  	_ =	shalt  }
0x66: {  	_ =	shalt  }
0x67: {  	_ =	shalt  }
0x68: {  	_ =	shalt  }
0x69: {  	_ =	shalt  }
0x6a: {  	_ =	shalt  }
0x6b: {  	_ =	shalt  }
0x6c: {  	_ =	shalt  }
0x6d: {  	_ =	shalt  }
0x6e: {  	_ =	shalt  }
0x6f: {  	_ =	shalt  }
0x70: {  	_ =	shalt  }
0x71: {  	_ =	shalt  }
0x72: {  	_ =	shalt  }
0x73: {  	_ =	shalt  }
0x74: {  	_ =	shalt  }
0x75: {  	_ =	shalt  }
0x76: {  	_ =	shalt  }
0x77: {  	_ =	shalt  }
0x78: {  	_ =	shalt  }
0x79: {  	_ =	shalt  }
0x7a: {  	_ =	shalt  }
0x7b: {  	_ =	shalt  }
0x7c: {  	_ =	shalt  }
0x7d: {  	_ =	shalt  }
0x7e: {  	_ =	shalt  }
0x7f: {  	_ =	shalt  }
0x80: {  	_ =	shalt  }
0x81: {  	_ =	shalt  }
0x82: {  	_ =	shalt  }
0x83: {  	_ =	shalt  }
0x84: {  	_ =	shalt  }
0x85: {  	_ =	shalt  }
0x86: {  	_ =	shalt  }
0x87: {  	_ =	shalt  }
.Lfunc_end0:
.L_simem_size_0:
called_computation_lowered:
.L_overlay_start_0:
0x88: {  	s2 =	sld [smem:$0x3FD9]  }
0x89: {  	s3 =	sld [smem:$0x3FFE];
	_ =	sdelay $0x1  }
0x8a: {  	s1 =	srdreg.scid  }
0x8b: {  	s0 =	sand.u32 $0x1, s1  }
0x8c: {  	s17 =	sshll.u32 s0, $0xA;
	s2 =	sadd.s32 s3, s2  }
0x8d: {  	s2 =	sadd.s32 s2, s17  }
0x8e: {  	[smem:$0x3FC3] =	sst s2  }
0x8f: {  	_ = 	snop  }
0x90: {  	s2 =	sld [smem:$0x3FC8];
	(tm) =	ssettm $0x1  }
0x91: {  	s18 =	sld [smem:$0x3FFB];
	_ =	sdelay $0x3  }
0x92: {  	_ =	strace s18  }
0x93: {  	s3 =	sld [smem:$0x3FFC];
	_ =	sdelay $0x3  }
0x94: {  	_ =	strace s3  }
0x95: {  	s3 =	sld [smem:$0x3FFD];
	_ =	sdelay $0x3  }
0x96: {  	_ =	strace s3  }
0x97: {  	_ =	strace $0x8FFFFFFF  }
0x98: {  	s19 =	sld [smem:$0x3FDB];
	_ =	sdelay $0x1  }
0x99: {  	s4 =	simm.s32 $_scs_section_size  }
0x9a: {  	s5 =	simm.s32 $_size__tile_overlayer_lowered;
	s6 =	simm.s32 $_tile_overlayer_lowered  }
0x9b: {  	s22 =	simm.s32 $0x1BFF;
	s21 =	sshll.u32 s6, $0x1;
	s3 =	sadd.s32 s4, s19  }
0x9c: {  	s7 =	simm.s32 $0x0;
	s20 =	sshll.u32 s5, $0x1;
	s5 =	sadd.s32 s21, s3  }
0x9d: {  	[timem:s7], [sflag:s22] =	dma.local [hbm:s5], s20  }
0x9e: {  	_ =	swait.ge [sflag:s22], s20  }
0x9f: {  	s4 =	ssub.s32 $0x0, s20;
	[sflag:s22] =	ssyncset.done $0x0  }
0xa0: {  	[sflag:s22] =	ssyncadd.s32 s4;
	_ =	sdelay $0x1  }
0xa1: {  	s23 =	simm.s32 $0x1B8B  }
0xa2: {  	_ =	swait.ge [sflag:s23], $0x1  }
0xa3: {  	[sflag:s23] =	ssyncset.done $0x0  }
0xa4: {  	s25 =	simm.s32 $0x1B8E;
	s24 =	sld [smem:$0x3FFE];
	[sflag:s23] =	ssyncadd.s32 $0xFFFFFFFF  }
0xa5: {  	s26 =	simm.s32 $execute0_lowered;
	[smem:$0x3FD2] =	sst s25  }
0xa6: {  	s5 =	sshll.u32 s26, $0x1;
	_ =	strace $0x80000046;
	[dreg:$0x1] =	wrdreg $0xFFFFFFFF  }
0xa7: {  	s28 =	simm.s32 $_size_execute0_lowered;
	s3 =	sadd.s32 s3, s5;
	[dreg:$0x0] =	wrdreg $0x0  }
0xa8: {  	s5 =	sshll.u32 s28, $0x1;
	[dreg:$0x2] =	wrdreg s3  }
0xa9: {  	[dreg:$0x3] =	wrdreg s5  }
0xaa: {  	[dreg:$0x4] =	wrdreg $0xC0  }
0xab: {  	_ =	task [dreg:s7], $0x5FFFF  }
0xac: {  	[dreg:$0x1] =	wrdreg $0xFFFFFFFF  }
0xad: {  	[dreg:$0x0] =	wrdreg $0x60  }
0xae: {  	[dreg:$0x2] =	wrdreg s2  }
0xaf: {  	[dreg:$0x3] =	wrdreg s24  }
0xb0: {  	[dreg:$0x4] =	wrdreg $0x9  }
0xb1: {  	_ =	task.clear_ibuf [dreg:s7], $0x5FFFF;
	_ =	strace $0x90000046  }
0xb2: {  	s29 =	simm.s32 $0x9;
	_ =	strace $0x80000048  }
0xb3: {  	_ =	swait.ge [sflag:s29], $0x1  }
0xb4: {  	[sflag:s29] =	ssyncadd.s32 $0xFFFFFFFF  }
0xb5: {  	_ =	strace $0x90000048  }
0xb6: {  	_ =	sfence  }
0xb7: {  	s30 =	sld [smem:$0x0];
	_ =	sdelay $0x2  }
0xb8: {  	s31 =	sshll.u32 s1, $0xD;
	s1 =	sshrl.u32 s1, $0x2  }
0xb9: {  	s3 =	sand.u32 $0x4000, s31;
	s1 =	sadd.s32 s1, s30  }
0xba: {  	s0 =	sor.u32 s3, s0;
	s1 =	sshll.u32 s1, $0x11  }
0xbb: {  	s0 =	sor.u32 s1, s0  }
0xbc: {  	s0 =	sadd.s32 $0x8F2B, s0  }
0xbd: {  	[sflag:s0] =	ssyncadd.remote.s32 $0x1  }
0xbe: {  	_ =	sfence.sel $0xFFFF  }
0xbf: {  	[dreg:$0x0] =	wrdreg $0xFFFFFFFF;
	(pc) =	sbr.abs _section_cstart, $3  }
0xc0: {  	[dreg:$0x1] =	wrdreg $0xFFFFFFFF  }
0xc1: {  	_ =	task.clear_ibuf [dreg:s7], $0x2FFFF;
	_ =	strace $0x9FFFFFFF  }
0xc2: {  	(tm) =	ssettm $0x7FFFFFFF  }
0xc3: {  	_ =	shalt  }
tec
execute0_lowered:
.L_overlay_start_1:
0x0: {  	(tag) =	ssettag $0x1  }
0x1: {  	s2 =	rddreg [dreg:$0x0]  }
0x2: {  	s1 =	srdreg.scid;
	s0 =	stileid.u32  }
0x3: {  	s4 =	rddreg [dreg:$0x1];
	s3 =	simm.s32 $0x0;
	s10 =	simm.s32 $0x1  }
0x4: {  	s11 =	simm.s32 $0x2;
	s12 =	simm.s32 $0xF000;
	s13 =	simm.s32 $0x3  }
0x5: {  	s14 =	simm.s32 $0x0;
	s5 =	sand.u32 $0x1, s1;
	s6 =	sshll.u32 s0, $0x1  }
0x6: {  	s19 =	simm.s32 $0x0;
	s1 =	rddreg [dreg:$0x2];
	s6 =	sor.u32 s5, s6  }
0x7: {  	[smem:$0x7FF] =	sst s3;
	s5 =	ssub.s32 $0x2, s5;
	s7 =	smul.u32 $0xC30, s6  }
0x8: {  	s8 =	sshll.u32 s6, $0x7;
	s6 =	smul.u32 $0xC300, s6;
	s31 =	sshrl.u32 s5, $0x1  }
0x9: {  	_ =	strace $0x80000047;
	s8 =	sadd.s32 s8, s4;
	s9 =	ssub.s32 s5, s31  }
0xa: {  	s4 =	sadd.s32 s2, s6;
	s5 =	sadd.s32 $0xF0, s7;
	s6 =	sadd.s32 $0x1E0, s7  }
0xb: {  	v0 =	vimm.f32 $0.0e+00;
	s7 =	sadd.s32 $0xE00, s8;
	s8 =	smax.u32 s9, $0x1;
	s9 =	simm.s32 $0x7800  }
.LBB2_1:
0xc: {  	v6 =	vimm.f32 $0.0e+00;
	v1 =	vimm.f32 $0.0e+00  }
0xd: {  	[tilespmem:s3], [sflag:$0x1] =	stream.linear.gather [hbm4b:s4+s3], $0x7800, $0x38;
	v2 =	vimm.f32 $0.0e+00;
	v3 =	vimm.f32 $0.0e+00;
	v4 =	vimm.f32 $0.0e+00;
	[tilespmem:$0xF400] =	vst v63  }
0xe: {  	v5 =	vimm.f32 $0.0e+00;
	v8 =	vimm.f32 $0.0e+00;
	v7 =	vimm.f32 $0.0e+00;
	s15 =	simm.s32 $0x0  }
.LBB2_2:
0xf: {  	s16 =	smul.u32 $0x1E0, s15;
	_ =	sdelay $0x1  }
0x10: {  	s17 =	sadd.s32 s16, s5  }
0x11: {  	s17 =	sshll.u32 s17, $0x4  }
0x12: {  	s18 =	simm.s32 $0x0;
	s17 =	sadd.s32 s2, s17  }
0x13: {  	[tilespmem:s9], [sflag:$0x2] =	stream.linear.gather [hbm4b:s17+s18], $0x7800, $0x38;
	[tilespmem:$0xF400] =	vst v63  }
0x14: {  	_ =	swait.ge [sflag:s10], $0x7800  }
0x15: {  	[sflag:s10] =	ssyncset.done $0x0  }
0x16: {  	[sflag:s10] =	ssyncadd.s32 $0xFFFF8800  }
0x17: {  	v12 =	vld [tilespmem:s19+$0x70]  }
0x18: {  	v13 =	vld [tilespmem:s19+$0x0]  }
0x19: {  	v14 =	vld [tilespmem:s19+$0x10]  }
0x1a: {  	v10 =	vld [tilespmem:s19+$0x20]  }
0x1b: {  	v11 =	vld [tilespmem:s19+$0x30]  }
0x1c: {  	v9 =	vld [tilespmem:s19+$0x40]  }
0x1d: {  	v6 =	vadd.f32 v12, v6;
	v12 =	vld [tilespmem:s19+$0x50]  }
0x1e: {  	s17 =	simm.s32 $0x80;
	s18 =	simm.s32 $0x400;
	v7 =	vadd.f32 v13, v7;
	v8 =	vadd.f32 v14, v8;
	v13 =	vld [tilespmem:s19+$0x60]  }
.LBB2_3:
0x1f: {  	p0 =	sne.s32 s18, $0x1DE00;
	v14 =	vld [tilespmem:s17+$0x70];
	v5 =	vadd.f32 v10, v5  }
0x20: {  	v15 =	vld [tilespmem:s17+$0x0];
	v4 =	vadd.f32 v11, v4  }
0x21: {  	v16 =	vld [tilespmem:s17+$0x10];
	v3 =	vadd.f32 v9, v3  }
.Ltmp0:
0x22: {  	v10 =	vld [tilespmem:s17+$0x20];
	v2 =	vadd.f32 v12, v2;
	(pc) =	sbr.rel @p0 .LBB2_3-.Ltmp0, $4  }
0x23: {  	v11 =	vld [tilespmem:s17+$0x30];
	v1 =	vadd.f32 v13, v1  }
0x24: {  	v9 =	vld [tilespmem:s17+$0x40];
	v6 =	vadd.f32 v14, v6  }
0x25: {  	v7 =	vadd.f32 v15, v7;
	v12 =	vld [tilespmem:s17+$0x50]  }
0x26: {  	v8 =	vadd.f32 v16, v8;
	v13 =	vld [tilespmem:s17+$0x60];
	s17 =	sshra.s32 s18, $0x2;
	s18 =	sadd.s32 $0x200, s18  }
0x27: {  	v14 =	vld [tilespmem:s17+$0x70]  }
0x28: {  	v15 =	vld [tilespmem:s17+$0x0]  }
0x29: {  	v16 =	vld [tilespmem:s17+$0x10]  }
0x2a: {  	v17 =	vld [tilespmem:s17+$0x20]  }
0x2b: {  	v18 =	vld [tilespmem:s17+$0x30];
	s16 =	sadd.s32 s16, s6  }
0x2c: {  	v19 =	vld [tilespmem:s17+$0x40];
	s16 =	sshll.u32 s16, $0x4  }
0x2d: {  	v20 =	vld [tilespmem:s17+$0x50];
	s31 =	simm.s32 $0x0;
	s16 =	sadd.s32 s2, s16  }
0x2e: {  	v21 =	vld [tilespmem:s17+$0x60];
	[tilespmem:s31], [sflag:$0x1] =	stream.linear.gather [hbm4b:s16+s31], $0x7800, $0x38  }
0x2f: {  	_ =	swait.ge [sflag:s11], $0x7800  }
0x30: {  	[sflag:s11] =	ssyncset.done $0x0  }
0x31: {  	s18 =	simm.s32 $0x0;
	[sflag:s11] =	ssyncadd.s32 $0xFFFF8800  }
0x32: {  	v5 =	vadd.f32 v10, v5;
	v4 =	vadd.f32 v11, v4;
	v22 =	vld [tilespmem:s18+$0x7870]  }
0x33: {  	v11 =	vadd.f32 v9, v3;
	v2 =	vadd.f32 v12, v2;
	v23 =	vld [tilespmem:s18+$0x7800]  }
0x34: {  	v12 =	vadd.f32 v13, v1;
	v6 =	vadd.f32 v14, v6;
	v13 =	vld [tilespmem:s18+$0x7810]  }
0x35: {  	v7 =	vadd.f32 v15, v7;
	v8 =	vadd.f32 v16, v8;
	v9 =	vld [tilespmem:s18+$0x7820]  }
0x36: {  	v3 =	vadd.f32 v17, v5;
	v1 =	vadd.f32 v18, v4;
	v10 =	vld [tilespmem:s18+$0x7830]  }
0x37: {  	v4 =	vadd.f32 v19, v11;
	v2 =	vadd.f32 v20, v2;
	v11 =	vld [tilespmem:s18+$0x7840]  }
0x38: {  	v5 =	vadd.f32 v21, v12;
	v12 =	vld [tilespmem:s18+$0x7850];
	v6 =	vadd.f32 v22, v6  }
0x39: {  	s17 =	simm.s32 $0x400;
	s16 =	simm.s32 $0x80;
	v7 =	vadd.f32 v23, v7;
	v8 =	vadd.f32 v13, v8;
	v13 =	vld [tilespmem:s18+$0x7860]  }
.LBB2_5:
0x3a: {  	p0 =	sne.s32 s17, $0x1DE00;
	v14 =	vld [tilespmem:s16+$0x7870];
	v3 =	vadd.f32 v9, v3  }
0x3b: {  	v15 =	vld [tilespmem:s16+$0x7800];
	v1 =	vadd.f32 v10, v1  }
0x3c: {  	v16 =	vld [tilespmem:s16+$0x7810];
	v4 =	vadd.f32 v11, v4  }
.Ltmp1:
0x3d: {  	v9 =	vld [tilespmem:s16+$0x7820];
	v2 =	vadd.f32 v12, v2;
	(pc) =	sbr.rel @p0 .LBB2_5-.Ltmp1, $4  }
0x3e: {  	v10 =	vld [tilespmem:s16+$0x7830];
	v5 =	vadd.f32 v13, v5  }
0x3f: {  	v11 =	vld [tilespmem:s16+$0x7840];
	v6 =	vadd.f32 v14, v6  }
0x40: {  	v7 =	vadd.f32 v15, v7;
	v12 =	vld [tilespmem:s16+$0x7850]  }
0x41: {  	v8 =	vadd.f32 v16, v8;
	v13 =	vld [tilespmem:s16+$0x7860];
	s16 =	sshra.s32 s17, $0x2;
	s17 =	sadd.s32 $0x200, s17  }
0x42: {  	v14 =	vld [tilespmem:s16+$0x7870]  }
0x43: {  	v15 =	vld [tilespmem:s16+$0x7800]  }
0x44: {  	v16 =	vld [tilespmem:s16+$0x7810]  }
0x45: {  	v17 =	vld [tilespmem:s16+$0x7820]  }
0x46: {  	v18 =	vld [tilespmem:s16+$0x7830]  }
0x47: {  	v19 =	vld [tilespmem:s16+$0x7840]  }
0x48: {  	v3 =	vadd.f32 v9, v3;
	v9 =	vld [tilespmem:s16+$0x7850];
	s15 =	sadd.s32 $0x1, s15  }
0x49: {  	v1 =	vadd.f32 v10, v1;
	p0 =	sne.s32 s15, $0x6;
	v10 =	vadd.f32 v11, v4;
	v11 =	vld [tilespmem:s16+$0x7860]  }
.Ltmp2:
0x4a: {  	v2 =	vadd.f32 v12, v2;
	v63 =	vadd.f32 v13, v5;
	(pc) =	sbr.rel @p0 .LBB2_2-.Ltmp2, $4  }
0x4b: {  	v6 =	vadd.f32 v14, v6;
	v7 =	vadd.f32 v15, v7  }
0x4c: {  	v8 =	vadd.f32 v16, v8;
	v5 =	vadd.f32 v17, v3  }
0x4d: {  	v4 =	vadd.f32 v18, v1;
	v3 =	vadd.f32 v19, v10  }
0x4e: {  	v2 =	vadd.f32 v9, v2;
	v1 =	vadd.f32 v11, v63  }
0x4f: {  	_ =	swait.ge [sflag:s10], $0x7800  }
0x50: {  	[sflag:s10] =	ssyncset.done $0x0  }
0x51: {  	s17 =	simm.s32 $0x0;
	[sflag:s10] =	ssyncadd.s32 $0xFFFF8800  }
0x52: {  	v10 =	vld [tilespmem:s17+$0x70]  }
0x53: {  	v12 =	vld [tilespmem:s17+$0x0]  }
0x54: {  	v14 =	vld [tilespmem:s17+$0x10]  }
0x55: {  	v13 =	vld [tilespmem:s17+$0x20]  }
0x56: {  	v11 =	vld [tilespmem:s17+$0x30]  }
0x57: {  	v9 =	vld [tilespmem:s17+$0x40]  }
0x58: {  	v6 =	vadd.f32 v10, v6;
	v10 =	vld [tilespmem:s17+$0x50]  }
0x59: {  	s15 =	simm.s32 $0x80;
	s16 =	simm.s32 $0x400;
	v7 =	vadd.f32 v12, v7;
	v8 =	vadd.f32 v14, v8;
	v12 =	vld [tilespmem:s17+$0x60]  }
.LBB2_8:
0x5a: {  	p0 =	sne.s32 s16, $0x1DE00;
	v14 =	vld [tilespmem:s15+$0x70];
	v5 =	vadd.f32 v13, v5  }
0x5b: {  	v15 =	vld [tilespmem:s15+$0x0];
	v4 =	vadd.f32 v11, v4  }
0x5c: {  	v16 =	vld [tilespmem:s15+$0x10];
	v3 =	vadd.f32 v9, v3  }
.Ltmp3:
0x5d: {  	v13 =	vld [tilespmem:s15+$0x20];
	v2 =	vadd.f32 v10, v2;
	(pc) =	sbr.rel @p0 .LBB2_8-.Ltmp3, $4  }
0x5e: {  	v11 =	vld [tilespmem:s15+$0x30];
	v1 =	vadd.f32 v12, v1  }
0x5f: {  	v9 =	vld [tilespmem:s15+$0x40];
	v6 =	vadd.f32 v14, v6  }
0x60: {  	v7 =	vadd.f32 v15, v7;
	v10 =	vld [tilespmem:s15+$0x50]  }
0x61: {  	v8 =	vadd.f32 v16, v8;
	v12 =	vld [tilespmem:s15+$0x60];
	s15 =	sshra.s32 s16, $0x2;
	s16 =	sadd.s32 $0x200, s16  }
0x62: {  	v14 =	vld [tilespmem:s15+$0x70]  }
0x63: {  	v15 =	vld [tilespmem:s15+$0x0]  }
0x64: {  	v16 =	vld [tilespmem:s15+$0x10]  }
0x65: {  	v17 =	vld [tilespmem:s15+$0x20]  }
0x66: {  	v18 =	vld [tilespmem:s15+$0x30]  }
0x67: {  	v19 =	vld [tilespmem:s15+$0x40]  }
0x68: {  	v62 =	vld [tilespmem:s15+$0x50]  }
0x69: {  	v63 =	vld [tilespmem:s15+$0x60];
	[tilespmem:$0xF080] =	vst v0  }
0x6a: {  	[tilespmem:$0xF090] =	vst v0  }
0x6b: {  	[tilespmem:$0xF0A0] =	vst v0  }
0x6c: {  	[tilespmem:$0xF0B0] =	vst v0  }
0x6d: {  	[tilespmem:$0xF0C0] =	vst v0  }
0x6e: {  	[tilespmem:$0xF0D0] =	vst v0  }
0x6f: {  	[tilespmem:$0xF0E0] =	vst v0  }
0x70: {  	[tilespmem:$0xF0F0] =	vst v0  }
0x71: {  	[tilespmem:$0xF100] =	vst v0  }
0x72: {  	[tilespmem:$0xF110] =	vst v0  }
0x73: {  	[tilespmem:$0xF120] =	vst v0  }
0x74: {  	[tilespmem:$0xF130] =	vst v0  }
0x75: {  	[tilespmem:$0xF140] =	vst v0  }
0x76: {  	[tilespmem:$0xF150] =	vst v0  }
0x77: {  	[tilespmem:$0xF160] =	vst v0  }
0x78: {  	[tilespmem:$0xF170] =	vst v0  }
0x79: {  	[tilespmem:$0xF180] =	vst v0  }
0x7a: {  	[tilespmem:$0xF190] =	vst v0  }
0x7b: {  	[tilespmem:$0xF1A0] =	vst v0  }
0x7c: {  	[tilespmem:$0xF1B0] =	vst v0  }
0x7d: {  	[tilespmem:$0xF1C0] =	vst v0  }
0x7e: {  	[tilespmem:$0xF1D0] =	vst v0  }
0x7f: {  	[tilespmem:$0xF1E0] =	vst v0  }
0x80: {  	[tilespmem:$0xF1F0] =	vst v0  }
0x81: {  	[tilespmem:$0xF200] =	vst v0  }
0x82: {  	[tilespmem:$0xF210] =	vst v0  }
0x83: {  	[tilespmem:$0xF220] =	vst v0  }
0x84: {  	[tilespmem:$0xF230] =	vst v0  }
0x85: {  	[tilespmem:$0xF240] =	vst v0  }
0x86: {  	[tilespmem:$0xF250] =	vst v0  }
0x87: {  	[tilespmem:$0xF260] =	vst v0  }
0x88: {  	[tilespmem:$0xF270] =	vst v0  }
0x89: {  	[tilespmem:$0xF280] =	vst v0  }
0x8a: {  	[tilespmem:$0xF290] =	vst v0  }
0x8b: {  	[tilespmem:$0xF2A0] =	vst v0  }
0x8c: {  	[tilespmem:$0xF2B0] =	vst v0  }
0x8d: {  	[tilespmem:$0xF2C0] =	vst v0  }
0x8e: {  	[tilespmem:$0xF2D0] =	vst v0  }
0x8f: {  	[tilespmem:$0xF2E0] =	vst v0  }
0x90: {  	[tilespmem:$0xF2F0] =	vst v0  }
0x91: {  	[tilespmem:$0xF300] =	vst v0  }
0x92: {  	[tilespmem:$0xF310] =	vst v0  }
0x93: {  	[tilespmem:$0xF320] =	vst v0  }
0x94: {  	[tilespmem:$0xF330] =	vst v0  }
0x95: {  	[tilespmem:$0xF340] =	vst v0  }
0x96: {  	[tilespmem:$0xF350] =	vst v0  }
0x97: {  	[tilespmem:$0xF360] =	vst v0  }
0x98: {  	[tilespmem:$0xF370] =	vst v0  }
0x99: {  	[tilespmem:$0xF380] =	vst v0  }
0x9a: {  	[tilespmem:$0xF390] =	vst v0  }
0x9b: {  	[tilespmem:$0xF3A0] =	vst v0  }
0x9c: {  	[tilespmem:$0xF3B0] =	vst v0  }
0x9d: {  	[tilespmem:$0xF3C0] =	vst v0  }
0x9e: {  	[tilespmem:$0xF3D0] =	vst v0  }
0x9f: {  	v5 =	vadd.f32 v13, v5;
	[tilespmem:$0xF3E0] =	vst v0;
	v7 =	vadd.f32 v15, v7  }
0xa0: {  	[tilespmem:$0xF3F0] =	vst v0;
	v4 =	vadd.f32 v11, v4;
	v8 =	vadd.f32 v16, v8  }
0xa1: {  	v3 =	vadd.f32 v9, v3;
	v5 =	vadd.f32 v17, v5;
	[tilespmem:$0xF000] =	vst v7  }
0xa2: {  	v2 =	vadd.f32 v10, v2;
	v4 =	vadd.f32 v18, v4;
	[tilespmem:$0xF010] =	vst v8  }
0xa3: {  	v1 =	vadd.f32 v12, v1;
	v3 =	vadd.f32 v19, v3;
	[tilespmem:$0xF020] =	vst v5  }
0xa4: {  	v2 =	vadd.f32 v62, v2;
	[tilespmem:$0xF030] =	vst v4  }
0xa5: {  	v1 =	vadd.f32 v63, v1;
	[tilespmem:$0xF040] =	vst v3  }
0xa6: {  	s14 =	sadd.s32 $0x1, s14;
	v3 =	vadd.f32 v14, v6;
	[tilespmem:$0xF050] =	vst v2  }
0xa7: {  	p0 =	sne.s32 s14, s8;
	[tilespmem:$0xF060] =	vst v1  }
.Ltmp4:
0xa8: {  	[tilespmem:$0xF070] =	vst v3;
	(pc) =	sbr.rel @p0 .LBB2_1-.Ltmp4, $4  }
0xa9: {  	[hbm4b:s7+s3] =	stream.linear.scatter [tilespmem:s12], [sflag:$0x3], $0x400, $0x38;
	[tilespmem:$0xF400] =	vst v63  }
0xaa: {  	_ =	swait.ge [sflag:s13], $0x400  }
0xab: {  	[sflag:s13] =	ssyncset.done $0x0  }
0xac: {  	[sflag:s13] =	ssyncadd.s32 $0xFFFFFC00  }
0xad: {  	_ =	sfence.sel $0x180000  }
0xae: {  	[bflag:$0x0] =	sbarrier.arrive $0xFFFF  }
0xaf: {  	p0 =	sne.s32 s0, $0x0;
	_ =	strace $0x90000047  }
0xb0: {  	s0 =	sadd.s32 @!p0 $0x100000, s1;
	[bflag:$0x2] =	sbarrier.arrive $0xFFFF  }
0xb1: {  	[sflag:s0] =	ssyncadd.tile.s32 @!p0 $0x1;
	_ =	shalt  }
.Lfunc_end2:
_tile_overlayer_lowered:
.L_overlay_start_2:
0xb2: {  	(tag) =	ssettag $0x2  }
0xb3: {  	s0 =	rddreg [dreg:$0x0];
	s2 =	stileid.u32  }
0xb4: {  	s1 =	rddreg [dreg:$0x1];
	p0 =	sne.s32 s2, $0x0  }
0xb5: {  	s3 =	rddreg [dreg:$0x2];
	[bflag:$0x3] =	sbarrier.arrive $0xFFFF;
	s2 =	simm.s32 @!p0 $0x1C03  }
0xb6: {  	[timem:s3], [sflag:s2] =	dma.local @!p0 [hbm:s0], s1  }
0xb7: {  	s0 =	simm.s32 @!p0 $0x3  }
0xb8: {  	_ =	swait.ge @!p0 [sflag:s0], s1  }
0xb9: {  	s1 =	ssub.s32 @!p0 $0x0, s1;
	[sflag:s0] =	ssyncset.done @!p0 $0x0  }
0xba: {  	[sflag:s0] =	ssyncadd.s32 @!p0 s1  }
0xbb: {  	[bflag:$0x3] =	sbarrier.arrive $0xFFFF  }
0xbc: {  	_ =	shalt  }

</sc_bundles>
